<compile_context>
chip_gen: v7x
topology: tpu7x:2x2x1
jax: 0.10.2.dev20260603
libtpu: 0.0.44.dev20260713+nightly
codegen_flags: <defaults>
</compile_context>

<pallas_src>
import jax
import jax.numpy as jnp
from jax import lax
from jax.experimental import pallas as pl
from jax.experimental.pallas import tpu as pltpu
from jax.experimental.pallas import tpu_sc as plsc

EMBED = 64
HE = 32
NW = 32
ROWS_PER_DMA = 128
DMAS_PER_GROUP = 5
GROUP_ROWS = ROWS_PER_DMA * DMAS_PER_GROUP
OUT_W = 128
QUARTER = 262144
TP_BN = 8192


def _tc_repack(table_t):
    nbq = QUARTER // TP_BN
    vocab = table_t.shape[1]
    last_b = (vocab - 1) // TP_BN

    def pack(x_ref):
        t = jnp.transpose(x_ref[...].astype(jnp.bfloat16), (1, 0))
        lo = lax.bitcast_convert_type(t[:, 0:HE], jnp.uint16)
        hi = lax.bitcast_convert_type(t[:, HE:EMBED], jnp.uint16)
        return lo.astype(jnp.int32) | lax.shift_left(hi.astype(jnp.int32), 16)

    def body(xa_ref, xb_ref, xc_ref, xd_ref, o_ref):
        o_ref[:, 0 * HE:1 * HE] = pack(xa_ref)
        o_ref[:, 1 * HE:2 * HE] = pack(xb_ref)
        o_ref[:, 2 * HE:3 * HE] = pack(xc_ref)
        o_ref[:, 3 * HE:4 * HE] = pack(xd_ref)

    def spec(k):
        if k == 0:
            return pl.BlockSpec((EMBED, TP_BN), lambda c: (0, c))
        return pl.BlockSpec(
            (EMBED, TP_BN),
            lambda c, k=k: (0, jnp.minimum(c + k * nbq, last_b)))

    return pl.pallas_call(
        body,
        grid=(nbq,),
        in_specs=[spec(0), spec(1), spec(2), spec(3)],
        out_specs=pl.BlockSpec((TP_BN, OUT_W), lambda c: (c, 0)),
        out_shape=jax.ShapeDtypeStruct((QUARTER, OUT_W), jnp.int32),
    )(table_t, table_t, table_t, table_t)


def _sc_gather(table, idx3, n_rows):
    chunks = idx3.shape[1]
    groups = chunks // DMAS_PER_GROUP
    rows_per_w = chunks * ROWS_PER_DMA

    mesh = plsc.VectorSubcoreMesh(core_axis_name="c", subcore_axis_name="s",
                                  num_cores=2, num_subcores=16)

    def body(table_hbm, idx_hbm, out_hbm, idx_v, buf0, buf1, gsem,
             wsem0, wsem1):
        bufs = (buf0, buf1)
        wsems = (wsem0, wsem1)
        cid = lax.axis_index("c")
        sid = lax.axis_index("s")
        wid = sid * 2 + cid
        base = wid * rows_per_w
        pltpu.sync_copy(idx_hbm.at[wid], idx_v)

        def wb_drain(b):
            pltpu.make_async_copy(
                bufs[b],
                out_hbm.at[pl.ds(0, GROUP_ROWS), pl.ds(0, HE)],
                wsems[b]).wait()

        @pl.loop(0, groups, step=2)
        def _(big_g):
            for b in range(2):
                g = big_g + b

                @pl.when(g >= 2)
                def _():
                    wb_drain(b)

                cps = []
                for k in range(DMAS_PER_GROUP):
                    j = g * DMAS_PER_GROUP + k
                    cps.append(pltpu.async_copy(
                        table_hbm.at[idx_v.at[j]],
                        bufs[b].at[pl.ds(k * ROWS_PER_DMA, ROWS_PER_DMA)],
                        gsem))
                for cp in cps:
                    cp.wait()
                pltpu.async_copy(
                    bufs[b],
                    out_hbm.at[pl.ds(base + g * GROUP_ROWS, GROUP_ROWS),
                               pl.ds(0, HE)],
                    wsems[b])

        for b in range(2):
            wb_drain(b)

    gathered = pl.kernel(
        body,
        out_type=jax.ShapeDtypeStruct((n_rows, OUT_W), jnp.int32),
        mesh=mesh,
        compiler_params=pltpu.CompilerParams(use_tc_tiling_on_sc=False),
        scratch_types=[
            pltpu.VMEM((chunks, ROWS_PER_DMA), jnp.int32),
            pltpu.VMEM((GROUP_ROWS, HE), jnp.int32),
            pltpu.VMEM((GROUP_ROWS, HE), jnp.int32),
            pltpu.SemaphoreType.DMA,
            pltpu.SemaphoreType.DMA,
            pltpu.SemaphoreType.DMA,
        ],
    )(table, idx3)
    return gathered


def _tc_linear_t(g3, w_lo, w_hi, b2, seq, batch):
    bb = 4096
    grid = (seq, batch // bb)

    def body(x_ref, wl_ref, wh_ref, b_ref, o_ref):
        u = x_ref[0, :, 0:HE]
        xe = lax.bitcast_convert_type(lax.shift_left(u, 16), jnp.float32)
        xo = lax.bitcast_convert_type(u & jnp.int32(-65536), jnp.float32)
        o = (lax.dot_general(wl_ref[...], xe, (((0,), (1,)), ((), ())),
                             preferred_element_type=jnp.float32)
             + lax.dot_general(wh_ref[...], xo, (((0,), (1,)), ((), ())),
                               preferred_element_type=jnp.float32))
        o_ref[0] = o + b_ref[...]

    return pl.pallas_call(
        body,
        grid=grid,
        in_specs=[
            pl.BlockSpec((1, bb, OUT_W), lambda s, c: (s, c, 0)),
            pl.BlockSpec((HE, EMBED), lambda s, c: (0, 0)),
            pl.BlockSpec((HE, EMBED), lambda s, c: (0, 0)),
            pl.BlockSpec((EMBED, 1), lambda s, c: (0, 0)),
        ],
        out_specs=pl.BlockSpec((1, EMBED, bb), lambda s, c: (s, 0, c)),
        out_shape=jax.ShapeDtypeStruct((seq, EMBED, batch), jnp.float32),
    )(g3, w_lo, w_hi, b2)


def kernel(qus, table, W, b):
    batch, seq = qus.shape
    n = batch * seq
    table_rm = _tc_repack(jnp.swapaxes(table, 0, 1)).reshape(4 * QUARTER, HE)
    idx = jnp.swapaxes(qus, 0, 1).reshape(n).astype(jnp.int32)
    idx = ((idx & (QUARTER - 1)) << 2) | lax.shift_right_logical(idx, 18)
    idx3 = idx.reshape(NW, n // (NW * ROWS_PER_DMA), ROWS_PER_DMA)
    gathered = _sc_gather(table_rm, idx3, n)
    g3 = gathered.reshape(seq, batch, OUT_W)
    out_t = _tc_linear_t(g3, W[0:HE], W[HE:EMBED], b.reshape(EMBED, 1),
                         seq, batch)
    return jnp.transpose(out_t, (2, 0, 1))

# --- scband reference (transcript-rebuilt; emitter-appended) ---
"""Pipeline reference for scband-qus-embedding-map-16269336117816 (READ-ONLY COPY).

The authoritative reference and input builder live on the scoring server;
editing this copy changes nothing except your own understanding.
"""

import jax, jax.numpy as jnp
import numpy as np

WORD_SIZE = 1000000
EMBED_DIM = 64
HIDDEN_SIZE = 64
BATCH = 4096
SEQ = 50

def setup_inputs(seed: int = 0) -> dict:
    key = jax.random.key(seed)
    k_idx, k_tab, k_w, k_b = jax.random.split(key, 4)
    qus = jax.random.randint(k_idx, (BATCH, SEQ), 0, WORD_SIZE, dtype=jnp.int64 if jax.config.jax_enable_x64 else jnp.int32)
    # Embedding table (stands in for GloVe-initialized WordEmbedding weights)
    table = jax.random.normal(k_tab, (WORD_SIZE, EMBED_DIM), dtype=jnp.float32) * 0.02
    # Linear layer params
    W = jax.random.normal(k_w, (EMBED_DIM, HIDDEN_SIZE), dtype=jnp.float32) * (1.0 / np.sqrt(EMBED_DIM))
    b = jax.random.normal(k_b, (HIDDEN_SIZE,), dtype=jnp.float32) * 0.01
    return {"qus": qus, "table": table, "W": W, "b": b}

def reference(qus, table, W, b):
    # WordEmbedding forward: embedding lookup (dropout=0.0 so identity)
    text_embedding = jnp.take(table, qus, axis=0)  # [B, S, E]
    # nn.Linear(embedding_dim, hidden_size)
    text_x = jnp.dot(text_embedding, W) + b  # [B, S, H]
    return text_x

if __name__ == "__main__":
    import jax
    _d = setup_inputs()
    print(jax.jit(kernel)(*tuple(_d.values())))

</pallas_src>

<mosaic_0001>
#map = affine_map<(d0, d1) -> (0, 0)>
#map1 = affine_map<(d0, d1) -> (0, 0, 0)>
module attributes {stable_mosaic.version = 14 : i64} {
  func.func @body(%arg0: i32, %arg1: i32, %arg2: memref<1048576x32xi32, #tpu.memory_space<hbm>>, %arg3: memref<32x50x128xi32, #tpu.memory_space<hbm>>, %arg4: memref<204800x128xi32, #tpu.memory_space<hbm>>, %arg5: memref<50x128xi32, #tpu.memory_space<vmem>>, %arg6: memref<640x32xi32, #tpu.memory_space<vmem>>, %arg7: memref<640x32xi32, #tpu.memory_space<vmem>>, %arg8: memref<!tpu.dma_semaphore, #tpu.memory_space<semaphore_mem>>, %arg9: memref<!tpu.dma_semaphore, #tpu.memory_space<semaphore_mem>>, %arg10: memref<!tpu.dma_semaphore, #tpu.memory_space<semaphore_mem>>) attributes {dimension_semantics = [#tpu.dimension_semantics<core_parallel>, #tpu.dimension_semantics<subcore_parallel>], iteration_bounds = array<i64: 2, 16>, scalar_prefetch = 0 : i64, scratch_operands = 6 : i64, tpu.core_type = #tpu.core_type<sc_vector_subcore>, window_params = [{transform_indices = #map}, {transform_indices = #map1}, {transform_indices = #map}]} {
    %mul3A = arith.constant 2 : i32
    %mul3A_0 = arith.muli %arg1, %mul3A : i32
    %add3A = arith.addi %mul3A_0, %arg0 : i32
    %mul3A_1 = arith.constant 6400 : i32
    %mul3A_2 = arith.muli %add3A, %mul3A_1 : i32
    "tpu.region"() ({
      %run_scoped3A = tpu.sem_alloc : memref<!tpu.dma_semaphore, #tpu.memory_space<semaphore_mem>>
      %dma_start3A = arith.constant 0 : i32
      %dma_start3A_18 = arith.constant 0 : i32
      %dma_start3A_19 = tpu.memref_slice %arg3[%add3A, %dma_start3A, %dma_start3A_18] : memref<32x50x128xi32, #tpu.memory_space<hbm>> -> memref<1x50x128xi32, #tpu.memory_space<hbm>>
      %dma_start3A_20 = tpu.memref_squeeze %dma_start3A_19 : memref<1x50x128xi32, #tpu.memory_space<hbm>> -> memref<50x128xi32, #tpu.memory_space<hbm>>
      %dma_start3A_21 = arith.constant 0 : i32
      %dma_start3A_22 = arith.constant 0 : i32
      %dma_start3A_23 = tpu.memref_slice %arg3[%add3A, %dma_start3A_21, %dma_start3A_22] : memref<32x50x128xi32, #tpu.memory_space<hbm>> -> memref<1x50x128xi32, #tpu.memory_space<hbm>>
      %dma_start3A_24 = tpu.memref_squeeze %dma_start3A_23 : memref<1x50x128xi32, #tpu.memory_space<hbm>> -> memref<50x128xi32, #tpu.memory_space<hbm>>
      tpu.enqueue_dma source(%dma_start3A_24 : memref<50x128xi32, #tpu.memory_space<hbm>>) target(%arg5 : memref<50x128xi32, #tpu.memory_space<vmem>>) target_semaphore(%run_scoped3A : memref<!tpu.dma_semaphore, #tpu.memory_space<semaphore_mem>>)
      %dma_wait3A_25 = arith.constant 0 : i32
      %dma_wait3A_26 = arith.constant 0 : i32
      %dma_wait3A_27 = tpu.memref_slice %arg3[%add3A, %dma_wait3A_25, %dma_wait3A_26] : memref<32x50x128xi32, #tpu.memory_space<hbm>> -> memref<1x50x128xi32, #tpu.memory_space<hbm>>
      %dma_wait3A_28 = tpu.memref_squeeze %dma_wait3A_27 : memref<1x50x128xi32, #tpu.memory_space<hbm>> -> memref<50x128xi32, #tpu.memory_space<hbm>>
      %dma_wait3A_29 = arith.constant 0 : i32
      %dma_wait3A_30 = arith.constant 0 : i32
      %dma_wait3A_31 = tpu.memref_slice %arg3[%add3A, %dma_wait3A_29, %dma_wait3A_30] : memref<32x50x128xi32, #tpu.memory_space<hbm>> -> memref<1x50x128xi32, #tpu.memory_space<hbm>>
      %dma_wait3A_32 = tpu.memref_squeeze %dma_wait3A_31 : memref<1x50x128xi32, #tpu.memory_space<hbm>> -> memref<50x128xi32, #tpu.memory_space<hbm>>
      tpu.wait_dma2 semaphore(%run_scoped3A : memref<!tpu.dma_semaphore, #tpu.memory_space<semaphore_mem>>) src(%dma_wait3A_32 : memref<50x128xi32, #tpu.memory_space<hbm>>) dst(%arg5 : memref<50x128xi32, #tpu.memory_space<vmem>>)
      tpu.yield
    }) : () -> ()
    %scan3A = arith.constant 0 : i32
    %scan3A_3 = arith.constant 5 : i32
    %scan3A_4 = arith.addi %scan3A, %scan3A_3 : i32
    %scan3A_5 = arith.constant 1 : i32
    scf.for %scan3A_18 = %scan3A to %scan3A_4 step %scan3A_5  : i32 {
      %mul3A_19 = arith.constant 2 : i32
      %mul3A_20 = arith.muli %scan3A_18, %mul3A_19 : i32
      %add3A_21 = arith.constant 0 : i32
      %add3A_22 = arith.addi %add3A_21, %mul3A_20 : i32
      %add3A_23 = arith.constant 0 : i32
      %add3A_24 = arith.addi %add3A_22, %add3A_23 : i32
      %ge3A = arith.constant 2 : i32
      %ge3A_25 = arith.cmpi sge, %add3A_24, %ge3A : i32
      %convert_element_type3A = arith.extui %ge3A_25 : i1 to i32
      %cond3A = arith.constant 0 : i32
      %cond3A_26 = arith.cmpi ne, %convert_element_type3A, %cond3A : i32
      scf.if %cond3A_26 {
        %dma_wait3A_267 = arith.constant 0 : i32
        %dma_wait3A_268 = arith.constant 0 : i32
        %dma_wait3A_269 = tpu.memref_slice %arg4[%dma_wait3A_267, %dma_wait3A_268] : memref<204800x128xi32, #tpu.memory_space<hbm>> -> memref<640x32xi32, #tpu.memory_space<hbm>>
        %dma_wait3A_270 = arith.constant 0 : i32
        %dma_wait3A_271 = arith.constant 0 : i32
        %dma_wait3A_272 = tpu.memref_slice %arg4[%dma_wait3A_270, %dma_wait3A_271] : memref<204800x128xi32, #tpu.memory_space<hbm>> -> memref<640x32xi32, #tpu.memory_space<hbm>>
        tpu.wait_dma2 semaphore(%arg9 : memref<!tpu.dma_semaphore, #tpu.memory_space<semaphore_mem>>) src(%arg6 : memref<640x32xi32, #tpu.memory_space<vmem>>) dst(%dma_wait3A_272 : memref<640x32xi32, #tpu.memory_space<hbm>>)
      } else {
      }
      %mul3A_27 = arith.constant 5 : i32
      %mul3A_28 = arith.muli %add3A_24, %mul3A_27 : i32
      %add3A_29 = arith.constant 0 : i32
      %add3A_30 = arith.addi %mul3A_28, %add3A_29 : i32
      %dma_start3A = arith.constant 0 : i32
      %dma_start3A_31 = arith.constant 0 : i32
      %dma_start3A_32 = tpu.memref_slice %arg6[%dma_start3A, %dma_start3A_31] : memref<640x32xi32, #tpu.memory_space<vmem>> -> memref<128x32xi32, #tpu.memory_space<vmem>>
      %dma_start3A_33 = arith.constant 0 : i32
      %dma_start3A_34 = tpu.memref_slice %arg5[%add3A_30, %dma_start3A_33] : memref<50x128xi32, #tpu.memory_space<vmem>> -> memref<1x128xi32, #tpu.memory_space<vmem>>
      %dma_start3A_35 = tpu.memref_squeeze %dma_start3A_34 : memref<1x128xi32, #tpu.memory_space<vmem>> -> memref<128xi32, #tpu.memory_space<vmem>>
      %dma_start3A_36 = arith.constant 0 : i32
      %dma_start3A_37 = arith.constant 0 : i32
      %dma_start3A_38 = tpu.memref_slice %arg2[%dma_start3A_36, %dma_start3A_37] : memref<1048576x32xi32, #tpu.memory_space<hbm>> -> memref<1048576x32xi32, #tpu.memory_space<hbm>>
      tpu.enqueue_indirect_dma source(%dma_start3A_38 : memref<1048576x32xi32, #tpu.memory_space<hbm>>) target(%dma_start3A_32 : memref<128x32xi32, #tpu.memory_space<vmem>>) offsets(%dma_start3A_35 : memref<128xi32, #tpu.memory_space<vmem>>) semaphore(%arg8 : memref<!tpu.dma_semaphore, #tpu.memory_space<semaphore_mem>>)
      %mul3A_39 = arith.constant 5 : i32
      %mul3A_40 = arith.muli %add3A_24, %mul3A_39 : i32
      %add3A_41 = arith.constant 1 : i32
      %add3A_42 = arith.addi %mul3A_40, %add3A_41 : i32
      %dma_start3A_43 = arith.constant 128 : i32
      %dma_start3A_44 = arith.constant 0 : i32
      %dma_start3A_45 = tpu.memref_slice %arg6[%dma_start3A_43, %dma_start3A_44] : memref<640x32xi32, #tpu.memory_space<vmem>> -> memref<128x32xi32, #tpu.memory_space<vmem>>
      %dma_start3A_46 = arith.constant 0 : i32
      %dma_start3A_47 = tpu.memref_slice %arg5[%add3A_42, %dma_start3A_46] : memref<50x128xi32, #tpu.memory_space<vmem>> -> memref<1x128xi32, #tpu.memory_space<vmem>>
      %dma_start3A_48 = tpu.memref_squeeze %dma_start3A_47 : memref<1x128xi32, #tpu.memory_space<vmem>> -> memref<128xi32, #tpu.memory_space<vmem>>
      %dma_start3A_49 = arith.constant 0 : i32
      %dma_start3A_50 = arith.constant 0 : i32
      %dma_start3A_51 = tpu.memref_slice %arg2[%dma_start3A_49, %dma_start3A_50] : memref<1048576x32xi32, #tpu.memory_space<hbm>> -> memref<1048576x32xi32, #tpu.memory_space<hbm>>
      tpu.enqueue_indirect_dma source(%dma_start3A_51 : memref<1048576x32xi32, #tpu.memory_space<hbm>>) target(%dma_start3A_45 : memref<128x32xi32, #tpu.memory_space<vmem>>) offsets(%dma_start3A_48 : memref<128xi32, #tpu.memory_space<vmem>>) semaphore(%arg8 : memref<!tpu.dma_semaphore, #tpu.memory_space<semaphore_mem>>)
      %mul3A_52 = arith.constant 5 : i32
      %mul3A_53 = arith.muli %add3A_24, %mul3A_52 : i32
      %add3A_54 = arith.constant 2 : i32
      %add3A_55 = arith.addi %mul3A_53, %add3A_54 : i32
      %dma_start3A_56 = arith.constant 256 : i32
      %dma_start3A_57 = arith.constant 0 : i32
      %dma_start3A_58 = tpu.memref_slice %arg6[%dma_start3A_56, %dma_start3A_57] : memref<640x32xi32, #tpu.memory_space<vmem>> -> memref<128x32xi32, #tpu.memory_space<vmem>>
      %dma_start3A_59 = arith.constant 0 : i32
      %dma_start3A_60 = tpu.memref_slice %arg5[%add3A_55, %dma_start3A_59] : memref<50x128xi32, #tpu.memory_space<vmem>> -> memref<1x128xi32, #tpu.memory_space<vmem>>
      %dma_start3A_61 = tpu.memref_squeeze %dma_start3A_60 : memref<1x128xi32, #tpu.memory_space<vmem>> -> memref<128xi32, #tpu.memory_space<vmem>>
      %dma_start3A_62 = arith.constant 0 : i32
      %dma_start3A_63 = arith.constant 0 : i32
      %dma_start3A_64 = tpu.memref_slice %arg2[%dma_start3A_62, %dma_start3A_63] : memref<1048576x32xi32, #tpu.memory_space<hbm>> -> memref<1048576x32xi32, #tpu.memory_space<hbm>>
      tpu.enqueue_indirect_dma source(%dma_start3A_64 : memref<1048576x32xi32, #tpu.memory_space<hbm>>) target(%dma_start3A_58 : memref<128x32xi32, #tpu.memory_space<vmem>>) offsets(%dma_start3A_61 : memref<128xi32, #tpu.memory_space<vmem>>) semaphore(%arg8 : memref<!tpu.dma_semaphore, #tpu.memory_space<semaphore_mem>>)
      %mul3A_65 = arith.constant 5 : i32
      %mul3A_66 = arith.muli %add3A_24, %mul3A_65 : i32
      %add3A_67 = arith.constant 3 : i32
      %add3A_68 = arith.addi %mul3A_66, %add3A_67 : i32
      %dma_start3A_69 = arith.constant 384 : i32
      %dma_start3A_70 = arith.constant 0 : i32
      %dma_start3A_71 = tpu.memref_slice %arg6[%dma_start3A_69, %dma_start3A_70] : memref<640x32xi32, #tpu.memory_space<vmem>> -> memref<128x32xi32, #tpu.memory_space<vmem>>
      %dma_start3A_72 = arith.constant 0 : i32
      %dma_start3A_73 = tpu.memref_slice %arg5[%add3A_68, %dma_start3A_72] : memref<50x128xi32, #tpu.memory_space<vmem>> -> memref<1x128xi32, #tpu.memory_space<vmem>>
      %dma_start3A_74 = tpu.memref_squeeze %dma_start3A_73 : memref<1x128xi32, #tpu.memory_space<vmem>> -> memref<128xi32, #tpu.memory_space<vmem>>
      %dma_start3A_75 = arith.constant 0 : i32
      %dma_start3A_76 = arith.constant 0 : i32
      %dma_start3A_77 = tpu.memref_slice %arg2[%dma_start3A_75, %dma_start3A_76] : memref<1048576x32xi32, #tpu.memory_space<hbm>> -> memref<1048576x32xi32, #tpu.memory_space<hbm>>
      tpu.enqueue_indirect_dma source(%dma_start3A_77 : memref<1048576x32xi32, #tpu.memory_space<hbm>>) target(%dma_start3A_71 : memref<128x32xi32, #tpu.memory_space<vmem>>) offsets(%dma_start3A_74 : memref<128xi32, #tpu.memory_space<vmem>>) semaphore(%arg8 : memref<!tpu.dma_semaphore, #tpu.memory_space<semaphore_mem>>)
      %mul3A_78 = arith.constant 5 : i32
      %mul3A_79 = arith.muli %add3A_24, %mul3A_78 : i32
      %add3A_80 = arith.constant 4 : i32
      %add3A_81 = arith.addi %mul3A_79, %add3A_80 : i32
      %dma_start3A_82 = arith.constant 512 : i32
      %dma_start3A_83 = arith.constant 0 : i32
      %dma_start3A_84 = tpu.memref_slice %arg6[%dma_start3A_82, %dma_start3A_83] : memref<640x32xi32, #tpu.memory_space<vmem>> -> memref<128x32xi32, #tpu.memory_space<vmem>>
      %dma_start3A_85 = arith.constant 0 : i32
      %dma_start3A_86 = tpu.memref_slice %arg5[%add3A_81, %dma_start3A_85] : memref<50x128xi32, #tpu.memory_space<vmem>> -> memref<1x128xi32, #tpu.memory_space<vmem>>
      %dma_start3A_87 = tpu.memref_squeeze %dma_start3A_86 : memref<1x128xi32, #tpu.memory_space<vmem>> -> memref<128xi32, #tpu.memory_space<vmem>>
      %dma_start3A_88 = arith.constant 0 : i32
      %dma_start3A_89 = arith.constant 0 : i32
      %dma_start3A_90 = tpu.memref_slice %arg2[%dma_start3A_88, %dma_start3A_89] : memref<1048576x32xi32, #tpu.memory_space<hbm>> -> memref<1048576x32xi32, #tpu.memory_space<hbm>>
      tpu.enqueue_indirect_dma source(%dma_start3A_90 : memref<1048576x32xi32, #tpu.memory_space<hbm>>) target(%dma_start3A_84 : memref<128x32xi32, #tpu.memory_space<vmem>>) offsets(%dma_start3A_87 : memref<128xi32, #tpu.memory_space<vmem>>) semaphore(%arg8 : memref<!tpu.dma_semaphore, #tpu.memory_space<semaphore_mem>>)
      %dma_wait3A_91 = arith.constant 0 : i32
      %dma_wait3A_92 = arith.constant 0 : i32
      %dma_wait3A_93 = tpu.memref_slice %arg6[%dma_wait3A_91, %dma_wait3A_92] : memref<640x32xi32, #tpu.memory_space<vmem>> -> memref<128x32xi32, #tpu.memory_space<vmem>>
      %dma_wait3A_94 = arith.constant 0 : i32
      %dma_wait3A_95 = tpu.memref_slice %arg5[%add3A_30, %dma_wait3A_94] : memref<50x128xi32, #tpu.memory_space<vmem>> -> memref<1x128xi32, #tpu.memory_space<vmem>>
      %dma_wait3A_96 = tpu.memref_squeeze %dma_wait3A_95 : memref<1x128xi32, #tpu.memory_space<vmem>> -> memref<128xi32, #tpu.memory_space<vmem>>
      %dma_wait3A_97 = arith.constant 0 : i32
      %dma_wait3A_98 = arith.constant 0 : i32
      %dma_wait3A_99 = tpu.memref_slice %arg2[%dma_wait3A_97, %dma_wait3A_98] : memref<1048576x32xi32, #tpu.memory_space<hbm>> -> memref<1048576x32xi32, #tpu.memory_space<hbm>>
      tpu.wait_indirect_dma semaphore(%arg8 : memref<!tpu.dma_semaphore, #tpu.memory_space<semaphore_mem>>) src(%dma_wait3A_99 : memref<1048576x32xi32, #tpu.memory_space<hbm>>) dst(%dma_wait3A_93 : memref<128x32xi32, #tpu.memory_space<vmem>>)
      %dma_wait3A_100 = arith.constant 128 : i32
      %dma_wait3A_101 = arith.constant 0 : i32
      %dma_wait3A_102 = tpu.memref_slice %arg6[%dma_wait3A_100, %dma_wait3A_101] : memref<640x32xi32, #tpu.memory_space<vmem>> -> memref<128x32xi32, #tpu.memory_space<vmem>>
      %dma_wait3A_103 = arith.constant 0 : i32
      %dma_wait3A_104 = tpu.memref_slice %arg5[%add3A_42, %dma_wait3A_103] : memref<50x128xi32, #tpu.memory_space<vmem>> -> memref<1x128xi32, #tpu.memory_space<vmem>>
      %dma_wait3A_105 = tpu.memref_squeeze %dma_wait3A_104 : memref<1x128xi32, #tpu.memory_space<vmem>> -> memref<128xi32, #tpu.memory_space<vmem>>
      %dma_wait3A_106 = arith.constant 0 : i32
      %dma_wait3A_107 = arith.constant 0 : i32
      %dma_wait3A_108 = tpu.memref_slice %arg2[%dma_wait3A_106, %dma_wait3A_107] : memref<1048576x32xi32, #tpu.memory_space<hbm>> -> memref<1048576x32xi32, #tpu.memory_space<hbm>>
      tpu.wait_indirect_dma semaphore(%arg8 : memref<!tpu.dma_semaphore, #tpu.memory_space<semaphore_mem>>) src(%dma_wait3A_108 : memref<1048576x32xi32, #tpu.memory_space<hbm>>) dst(%dma_wait3A_102 : memref<128x32xi32, #tpu.memory_space<vmem>>)
      %dma_wait3A_109 = arith.constant 256 : i32
      %dma_wait3A_110 = arith.constant 0 : i32
      %dma_wait3A_111 = tpu.memref_slice %arg6[%dma_wait3A_109, %dma_wait3A_110] : memref<640x32xi32, #tpu.memory_space<vmem>> -> memref<128x32xi32, #tpu.memory_space<vmem>>
      %dma_wait3A_112 = arith.constant 0 : i32
      %dma_wait3A_113 = tpu.memref_slice %arg5[%add3A_55, %dma_wait3A_112] : memref<50x128xi32, #tpu.memory_space<vmem>> -> memref<1x128xi32, #tpu.memory_space<vmem>>
      %dma_wait3A_114 = tpu.memref_squeeze %dma_wait3A_113 : memref<1x128xi32, #tpu.memory_space<vmem>> -> memref<128xi32, #tpu.memory_space<vmem>>
      %dma_wait3A_115 = arith.constant 0 : i32
      %dma_wait3A_116 = arith.constant 0 : i32
      %dma_wait3A_117 = tpu.memref_slice %arg2[%dma_wait3A_115, %dma_wait3A_116] : memref<1048576x32xi32, #tpu.memory_space<hbm>> -> memref<1048576x32xi32, #tpu.memory_space<hbm>>
      tpu.wait_indirect_dma semaphore(%arg8 : memref<!tpu.dma_semaphore, #tpu.memory_space<semaphore_mem>>) src(%dma_wait3A_117 : memref<1048576x32xi32, #tpu.memory_space<hbm>>) dst(%dma_wait3A_111 : memref<128x32xi32, #tpu.memory_space<vmem>>)
      %dma_wait3A_118 = arith.constant 384 : i32
      %dma_wait3A_119 = arith.constant 0 : i32
      %dma_wait3A_120 = tpu.memref_slice %arg6[%dma_wait3A_118, %dma_wait3A_119] : memref<640x32xi32, #tpu.memory_space<vmem>> -> memref<128x32xi32, #tpu.memory_space<vmem>>
      %dma_wait3A_121 = arith.constant 0 : i32
      %dma_wait3A_122 = tpu.memref_slice %arg5[%add3A_68, %dma_wait3A_121] : memref<50x128xi32, #tpu.memory_space<vmem>> -> memref<1x128xi32, #tpu.memory_space<vmem>>
      %dma_wait3A_123 = tpu.memref_squeeze %dma_wait3A_122 : memref<1x128xi32, #tpu.memory_space<vmem>> -> memref<128xi32, #tpu.memory_space<vmem>>
      %dma_wait3A_124 = arith.constant 0 : i32
      %dma_wait3A_125 = arith.constant 0 : i32
      %dma_wait3A_126 = tpu.memref_slice %arg2[%dma_wait3A_124, %dma_wait3A_125] : memref<1048576x32xi32, #tpu.memory_space<hbm>> -> memref<1048576x32xi32, #tpu.memory_space<hbm>>
      tpu.wait_indirect_dma semaphore(%arg8 : memref<!tpu.dma_semaphore, #tpu.memory_space<semaphore_mem>>) src(%dma_wait3A_126 : memref<1048576x32xi32, #tpu.memory_space<hbm>>) dst(%dma_wait3A_120 : memref<128x32xi32, #tpu.memory_space<vmem>>)
      %dma_wait3A_127 = arith.constant 512 : i32
      %dma_wait3A_128 = arith.constant 0 : i32
      %dma_wait3A_129 = tpu.memref_slice %arg6[%dma_wait3A_127, %dma_wait3A_128] : memref<640x32xi32, #tpu.memory_space<vmem>> -> memref<128x32xi32, #tpu.memory_space<vmem>>
      %dma_wait3A_130 = arith.constant 0 : i32
      %dma_wait3A_131 = tpu.memref_slice %arg5[%add3A_81, %dma_wait3A_130] : memref<50x128xi32, #tpu.memory_space<vmem>> -> memref<1x128xi32, #tpu.memory_space<vmem>>
      %dma_wait3A_132 = tpu.memref_squeeze %dma_wait3A_131 : memref<1x128xi32, #tpu.memory_space<vmem>> -> memref<128xi32, #tpu.memory_space<vmem>>
      %dma_wait3A_133 = arith.constant 0 : i32
      %dma_wait3A_134 = arith.constant 0 : i32
      %dma_wait3A_135 = tpu.memref_slice %arg2[%dma_wait3A_133, %dma_wait3A_134] : memref<1048576x32xi32, #tpu.memory_space<hbm>> -> memref<1048576x32xi32, #tpu.memory_space<hbm>>
      tpu.wait_indirect_dma semaphore(%arg8 : memref<!tpu.dma_semaphore, #tpu.memory_space<semaphore_mem>>) src(%dma_wait3A_135 : memref<1048576x32xi32, #tpu.memory_space<hbm>>) dst(%dma_wait3A_129 : memref<128x32xi32, #tpu.memory_space<vmem>>)
      %mul3A_136 = arith.constant 640 : i32
      %mul3A_137 = arith.muli %add3A_24, %mul3A_136 : i32
      %add3A_138 = arith.addi %mul3A_2, %mul3A_137 : i32
      %dma_start3A_139 = arith.constant 0 : i32
      %dma_start3A_140 = tpu.memref_slice %arg4[%add3A_138, %dma_start3A_139] : memref<204800x128xi32, #tpu.memory_space<hbm>> -> memref<640x32xi32, #tpu.memory_space<hbm>>
      %dma_start3A_141 = arith.constant 0 : i32
      %dma_start3A_142 = tpu.memref_slice %arg4[%add3A_138, %dma_start3A_141] : memref<204800x128xi32, #tpu.memory_space<hbm>> -> memref<640x32xi32, #tpu.memory_space<hbm>>
      tpu.enqueue_dma source(%arg6 : memref<640x32xi32, #tpu.memory_space<vmem>>) target(%dma_start3A_142 : memref<640x32xi32, #tpu.memory_space<hbm>>) target_semaphore(%arg9 : memref<!tpu.dma_semaphore, #tpu.memory_space<semaphore_mem>>)
      %add3A_143 = arith.constant 1 : i32
      %add3A_144 = arith.addi %add3A_22, %add3A_143 : i32
      %ge3A_145 = arith.constant 2 : i32
      %ge3A_146 = arith.cmpi sge, %add3A_144, %ge3A_145 : i32
      %convert_element_type3A_147 = arith.extui %ge3A_146 : i1 to i32
      %cond3A_148 = arith.constant 0 : i32
      %cond3A_149 = arith.cmpi ne, %convert_element_type3A_147, %cond3A_148 : i32
      scf.if %cond3A_149 {
        %dma_wait3A_267 = arith.constant 0 : i32
        %dma_wait3A_268 = arith.constant 0 : i32
        %dma_wait3A_269 = tpu.memref_slice %arg4[%dma_wait3A_267, %dma_wait3A_268] : memref<204800x128xi32, #tpu.memory_space<hbm>> -> memref<640x32xi32, #tpu.memory_space<hbm>>
        %dma_wait3A_270 = arith.constant 0 : i32
        %dma_wait3A_271 = arith.constant 0 : i32
        %dma_wait3A_272 = tpu.memref_slice %arg4[%dma_wait3A_270, %dma_wait3A_271] : memref<204800x128xi32, #tpu.memory_space<hbm>> -> memref<640x32xi32, #tpu.memory_space<hbm>>
        tpu.wait_dma2 semaphore(%arg10 : memref<!tpu.dma_semaphore, #tpu.memory_space<semaphore_mem>>) src(%arg7 : memref<640x32xi32, #tpu.memory_space<vmem>>) dst(%dma_wait3A_272 : memref<640x32xi32, #tpu.memory_space<hbm>>)
      } else {
      }
      %mul3A_150 = arith.constant 5 : i32
      %mul3A_151 = arith.muli %add3A_144, %mul3A_150 : i32
      %add3A_152 = arith.constant 0 : i32
      %add3A_153 = arith.addi %mul3A_151, %add3A_152 : i32
      %dma_start3A_154 = arith.constant 0 : i32
      %dma_start3A_155 = arith.constant 0 : i32
      %dma_start3A_156 = tpu.memref_slice %arg7[%dma_start3A_154, %dma_start3A_155] : memref<640x32xi32, #tpu.memory_space<vmem>> -> memref<128x32xi32, #tpu.memory_space<vmem>>
      %dma_start3A_157 = arith.constant 0 : i32
      %dma_start3A_158 = tpu.memref_slice %arg5[%add3A_153, %dma_start3A_157] : memref<50x128xi32, #tpu.memory_space<vmem>> -> memref<1x128xi32, #tpu.memory_space<vmem>>
      %dma_start3A_159 = tpu.memref_squeeze %dma_start3A_158 : memref<1x128xi32, #tpu.memory_space<vmem>> -> memref<128xi32, #tpu.memory_space<vmem>>
      %dma_start3A_160 = arith.constant 0 : i32
      %dma_start3A_161 = arith.constant 0 : i32
      %dma_start3A_162 = tpu.memref_slice %arg2[%dma_start3A_160, %dma_start3A_161] : memref<1048576x32xi32, #tpu.memory_space<hbm>> -> memref<1048576x32xi32, #tpu.memory_space<hbm>>
      tpu.enqueue_indirect_dma source(%dma_start3A_162 : memref<1048576x32xi32, #tpu.memory_space<hbm>>) target(%dma_start3A_156 : memref<128x32xi32, #tpu.memory_space<vmem>>) offsets(%dma_start3A_159 : memref<128xi32, #tpu.memory_space<vmem>>) semaphore(%arg8 : memref<!tpu.dma_semaphore, #tpu.memory_space<semaphore_mem>>)
      %mul3A_163 = arith.constant 5 : i32
      %mul3A_164 = arith.muli %add3A_144, %mul3A_163 : i32
      %add3A_165 = arith.constant 1 : i32
      %add3A_166 = arith.addi %mul3A_164, %add3A_165 : i32
      %dma_start3A_167 = arith.constant 128 : i32
      %dma_start3A_168 = arith.constant 0 : i32
      %dma_start3A_169 = tpu.memref_slice %arg7[%dma_start3A_167, %dma_start3A_168] : memref<640x32xi32, #tpu.memory_space<vmem>> -> memref<128x32xi32, #tpu.memory_space<vmem>>
      %dma_start3A_170 = arith.constant 0 : i32
      %dma_start3A_171 = tpu.memref_slice %arg5[%add3A_166, %dma_start3A_170] : memref<50x128xi32, #tpu.memory_space<vmem>> -> memref<1x128xi32, #tpu.memory_space<vmem>>
      %dma_start3A_172 = tpu.memref_squeeze %dma_start3A_171 : memref<1x128xi32, #tpu.memory_space<vmem>> -> memref<128xi32, #tpu.memory_space<vmem>>
      %dma_start3A_173 = arith.constant 0 : i32
      %dma_start3A_174 = arith.constant 0 : i32
      %dma_start3A_175 = tpu.memref_slice %arg2[%dma_start3A_173, %dma_start3A_174] : memref<1048576x32xi32, #tpu.memory_space<hbm>> -> memref<1048576x32xi32, #tpu.memory_space<hbm>>
      tpu.enqueue_indirect_dma source(%dma_start3A_175 : memref<1048576x32xi32, #tpu.memory_space<hbm>>) target(%dma_start3A_169 : memref<128x32xi32, #tpu.memory_space<vmem>>) offsets(%dma_start3A_172 : memref<128xi32, #tpu.memory_space<vmem>>) semaphore(%arg8 : memref<!tpu.dma_semaphore, #tpu.memory_space<semaphore_mem>>)
      %mul3A_176 = arith.constant 5 : i32
      %mul3A_177 = arith.muli %add3A_144, %mul3A_176 : i32
      %add3A_178 = arith.constant 2 : i32
      %add3A_179 = arith.addi %mul3A_177, %add3A_178 : i32
      %dma_start3A_180 = arith.constant 256 : i32
      %dma_start3A_181 = arith.constant 0 : i32
      %dma_start3A_182 = tpu.memref_slice %arg7[%dma_start3A_180, %dma_start3A_181] : memref<640x32xi32, #tpu.memory_space<vmem>> -> memref<128x32xi32, #tpu.memory_space<vmem>>
      %dma_start3A_183 = arith.constant 0 : i32
      %dma_start3A_184 = tpu.memref_slice %arg5[%add3A_179, %dma_start3A_183] : memref<50x128xi32, #tpu.memory_space<vmem>> -> memref<1x128xi32, #tpu.memory_space<vmem>>
      %dma_start3A_185 = tpu.memref_squeeze %dma_start3A_184 : memref<1x128xi32, #tpu.memory_space<vmem>> -> memref<128xi32, #tpu.memory_space<vmem>>
      %dma_start3A_186 = arith.constant 0 : i32
      %dma_start3A_187 = arith.constant 0 : i32
      %dma_start3A_188 = tpu.memref_slice %arg2[%dma_start3A_186, %dma_start3A_187] : memref<1048576x32xi32, #tpu.memory_space<hbm>> -> memref<1048576x32xi32, #tpu.memory_space<hbm>>
      tpu.enqueue_indirect_dma source(%dma_start3A_188 : memref<1048576x32xi32, #tpu.memory_space<hbm>>) target(%dma_start3A_182 : memref<128x32xi32, #tpu.memory_space<vmem>>) offsets(%dma_start3A_185 : memref<128xi32, #tpu.memory_space<vmem>>) semaphore(%arg8 : memref<!tpu.dma_semaphore, #tpu.memory_space<semaphore_mem>>)
      %mul3A_189 = arith.constant 5 : i32
      %mul3A_190 = arith.muli %add3A_144, %mul3A_189 : i32
      %add3A_191 = arith.constant 3 : i32
      %add3A_192 = arith.addi %mul3A_190, %add3A_191 : i32
      %dma_start3A_193 = arith.constant 384 : i32
      %dma_start3A_194 = arith.constant 0 : i32
      %dma_start3A_195 = tpu.memref_slice %arg7[%dma_start3A_193, %dma_start3A_194] : memref<640x32xi32, #tpu.memory_space<vmem>> -> memref<128x32xi32, #tpu.memory_space<vmem>>
      %dma_start3A_196 = arith.constant 0 : i32
      %dma_start3A_197 = tpu.memref_slice %arg5[%add3A_192, %dma_start3A_196] : memref<50x128xi32, #tpu.memory_space<vmem>> -> memref<1x128xi32, #tpu.memory_space<vmem>>
      %dma_start3A_198 = tpu.memref_squeeze %dma_start3A_197 : memref<1x128xi32, #tpu.memory_space<vmem>> -> memref<128xi32, #tpu.memory_space<vmem>>
      %dma_start3A_199 = arith.constant 0 : i32
      %dma_start3A_200 = arith.constant 0 : i32
      %dma_start3A_201 = tpu.memref_slice %arg2[%dma_start3A_199, %dma_start3A_200] : memref<1048576x32xi32, #tpu.memory_space<hbm>> -> memref<1048576x32xi32, #tpu.memory_space<hbm>>
      tpu.enqueue_indirect_dma source(%dma_start3A_201 : memref<1048576x32xi32, #tpu.memory_space<hbm>>) target(%dma_start3A_195 : memref<128x32xi32, #tpu.memory_space<vmem>>) offsets(%dma_start3A_198 : memref<128xi32, #tpu.memory_space<vmem>>) semaphore(%arg8 : memref<!tpu.dma_semaphore, #tpu.memory_space<semaphore_mem>>)
      %mul3A_202 = arith.constant 5 : i32
      %mul3A_203 = arith.muli %add3A_144, %mul3A_202 : i32
      %add3A_204 = arith.constant 4 : i32
      %add3A_205 = arith.addi %mul3A_203, %add3A_204 : i32
      %dma_start3A_206 = arith.constant 512 : i32
      %dma_start3A_207 = arith.constant 0 : i32
      %dma_start3A_208 = tpu.memref_slice %arg7[%dma_start3A_206, %dma_start3A_207] : memref<640x32xi32, #tpu.memory_space<vmem>> -> memref<128x32xi32, #tpu.memory_space<vmem>>
      %dma_start3A_209 = arith.constant 0 : i32
      %dma_start3A_210 = tpu.memref_slice %arg5[%add3A_205, %dma_start3A_209] : memref<50x128xi32, #tpu.memory_space<vmem>> -> memref<1x128xi32, #tpu.memory_space<vmem>>
      %dma_start3A_211 = tpu.memref_squeeze %dma_start3A_210 : memref<1x128xi32, #tpu.memory_space<vmem>> -> memref<128xi32, #tpu.memory_space<vmem>>
      %dma_start3A_212 = arith.constant 0 : i32
      %dma_start3A_213 = arith.constant 0 : i32
      %dma_start3A_214 = tpu.memref_slice %arg2[%dma_start3A_212, %dma_start3A_213] : memref<1048576x32xi32, #tpu.memory_space<hbm>> -> memref<1048576x32xi32, #tpu.memory_space<hbm>>
      tpu.enqueue_indirect_dma source(%dma_start3A_214 : memref<1048576x32xi32, #tpu.memory_space<hbm>>) target(%dma_start3A_208 : memref<128x32xi32, #tpu.memory_space<vmem>>) offsets(%dma_start3A_211 : memref<128xi32, #tpu.memory_space<vmem>>) semaphore(%arg8 : memref<!tpu.dma_semaphore, #tpu.memory_space<semaphore_mem>>)
      %dma_wait3A_215 = arith.constant 0 : i32
      %dma_wait3A_216 = arith.constant 0 : i32
      %dma_wait3A_217 = tpu.memref_slice %arg7[%dma_wait3A_215, %dma_wait3A_216] : memref<640x32xi32, #tpu.memory_space<vmem>> -> memref<128x32xi32, #tpu.memory_space<vmem>>
      %dma_wait3A_218 = arith.constant 0 : i32
      %dma_wait3A_219 = tpu.memref_slice %arg5[%add3A_153, %dma_wait3A_218] : memref<50x128xi32, #tpu.memory_space<vmem>> -> memref<1x128xi32, #tpu.memory_space<vmem>>
      %dma_wait3A_220 = tpu.memref_squeeze %dma_wait3A_219 : memref<1x128xi32, #tpu.memory_space<vmem>> -> memref<128xi32, #tpu.memory_space<vmem>>
      %dma_wait3A_221 = arith.constant 0 : i32
      %dma_wait3A_222 = arith.constant 0 : i32
      %dma_wait3A_223 = tpu.memref_slice %arg2[%dma_wait3A_221, %dma_wait3A_222] : memref<1048576x32xi32, #tpu.memory_space<hbm>> -> memref<1048576x32xi32, #tpu.memory_space<hbm>>
      tpu.wait_indirect_dma semaphore(%arg8 : memref<!tpu.dma_semaphore, #tpu.memory_space<semaphore_mem>>) src(%dma_wait3A_223 : memref<1048576x32xi32, #tpu.memory_space<hbm>>) dst(%dma_wait3A_217 : memref<128x32xi32, #tpu.memory_space<vmem>>)
      %dma_wait3A_224 = arith.constant 128 : i32
      %dma_wait3A_225 = arith.constant 0 : i32
      %dma_wait3A_226 = tpu.memref_slice %arg7[%dma_wait3A_224, %dma_wait3A_225] : memref<640x32xi32, #tpu.memory_space<vmem>> -> memref<128x32xi32, #tpu.memory_space<vmem>>
      %dma_wait3A_227 = arith.constant 0 : i32
      %dma_wait3A_228 = tpu.memref_slice %arg5[%add3A_166, %dma_wait3A_227] : memref<50x128xi32, #tpu.memory_space<vmem>> -> memref<1x128xi32, #tpu.memory_space<vmem>>
      %dma_wait3A_229 = tpu.memref_squeeze %dma_wait3A_228 : memref<1x128xi32, #tpu.memory_space<vmem>> -> memref<128xi32, #tpu.memory_space<vmem>>
      %dma_wait3A_230 = arith.constant 0 : i32
      %dma_wait3A_231 = arith.constant 0 : i32
      %dma_wait3A_232 = tpu.memref_slice %arg2[%dma_wait3A_230, %dma_wait3A_231] : memref<1048576x32xi32, #tpu.memory_space<hbm>> -> memref<1048576x32xi32, #tpu.memory_space<hbm>>
      tpu.wait_indirect_dma semaphore(%arg8 : memref<!tpu.dma_semaphore, #tpu.memory_space<semaphore_mem>>) src(%dma_wait3A_232 : memref<1048576x32xi32, #tpu.memory_space<hbm>>) dst(%dma_wait3A_226 : memref<128x32xi32, #tpu.memory_space<vmem>>)
      %dma_wait3A_233 = arith.constant 256 : i32
      %dma_wait3A_234 = arith.constant 0 : i32
      %dma_wait3A_235 = tpu.memref_slice %arg7[%dma_wait3A_233, %dma_wait3A_234] : memref<640x32xi32, #tpu.memory_space<vmem>> -> memref<128x32xi32, #tpu.memory_space<vmem>>
      %dma_wait3A_236 = arith.constant 0 : i32
      %dma_wait3A_237 = tpu.memref_slice %arg5[%add3A_179, %dma_wait3A_236] : memref<50x128xi32, #tpu.memory_space<vmem>> -> memref<1x128xi32, #tpu.memory_space<vmem>>
      %dma_wait3A_238 = tpu.memref_squeeze %dma_wait3A_237 : memref<1x128xi32, #tpu.memory_space<vmem>> -> memref<128xi32, #tpu.memory_space<vmem>>
      %dma_wait3A_239 = arith.constant 0 : i32
      %dma_wait3A_240 = arith.constant 0 : i32
      %dma_wait3A_241 = tpu.memref_slice %arg2[%dma_wait3A_239, %dma_wait3A_240] : memref<1048576x32xi32, #tpu.memory_space<hbm>> -> memref<1048576x32xi32, #tpu.memory_space<hbm>>
      tpu.wait_indirect_dma semaphore(%arg8 : memref<!tpu.dma_semaphore, #tpu.memory_space<semaphore_mem>>) src(%dma_wait3A_241 : memref<1048576x32xi32, #tpu.memory_space<hbm>>) dst(%dma_wait3A_235 : memref<128x32xi32, #tpu.memory_space<vmem>>)
      %dma_wait3A_242 = arith.constant 384 : i32
      %dma_wait3A_243 = arith.constant 0 : i32
      %dma_wait3A_244 = tpu.memref_slice %arg7[%dma_wait3A_242, %dma_wait3A_243] : memref<640x32xi32, #tpu.memory_space<vmem>> -> memref<128x32xi32, #tpu.memory_space<vmem>>
      %dma_wait3A_245 = arith.constant 0 : i32
      %dma_wait3A_246 = tpu.memref_slice %arg5[%add3A_192, %dma_wait3A_245] : memref<50x128xi32, #tpu.memory_space<vmem>> -> memref<1x128xi32, #tpu.memory_space<vmem>>
      %dma_wait3A_247 = tpu.memref_squeeze %dma_wait3A_246 : memref<1x128xi32, #tpu.memory_space<vmem>> -> memref<128xi32, #tpu.memory_space<vmem>>
      %dma_wait3A_248 = arith.constant 0 : i32
      %dma_wait3A_249 = arith.constant 0 : i32
      %dma_wait3A_250 = tpu.memref_slice %arg2[%dma_wait3A_248, %dma_wait3A_249] : memref<1048576x32xi32, #tpu.memory_space<hbm>> -> memref<1048576x32xi32, #tpu.memory_space<hbm>>
      tpu.wait_indirect_dma semaphore(%arg8 : memref<!tpu.dma_semaphore, #tpu.memory_space<semaphore_mem>>) src(%dma_wait3A_250 : memref<1048576x32xi32, #tpu.memory_space<hbm>>) dst(%dma_wait3A_244 : memref<128x32xi32, #tpu.memory_space<vmem>>)
      %dma_wait3A_251 = arith.constant 512 : i32
      %dma_wait3A_252 = arith.constant 0 : i32
      %dma_wait3A_253 = tpu.memref_slice %arg7[%dma_wait3A_251, %dma_wait3A_252] : memref<640x32xi32, #tpu.memory_space<vmem>> -> memref<128x32xi32, #tpu.memory_space<vmem>>
      %dma_wait3A_254 = arith.constant 0 : i32
      %dma_wait3A_255 = tpu.memref_slice %arg5[%add3A_205, %dma_wait3A_254] : memref<50x128xi32, #tpu.memory_space<vmem>> -> memref<1x128xi32, #tpu.memory_space<vmem>>
      %dma_wait3A_256 = tpu.memref_squeeze %dma_wait3A_255 : memref<1x128xi32, #tpu.memory_space<vmem>> -> memref<128xi32, #tpu.memory_space<vmem>>
      %dma_wait3A_257 = arith.constant 0 : i32
      %dma_wait3A_258 = arith.constant 0 : i32
      %dma_wait3A_259 = tpu.memref_slice %arg2[%dma_wait3A_257, %dma_wait3A_258] : memref<1048576x32xi32, #tpu.memory_space<hbm>> -> memref<1048576x32xi32, #tpu.memory_space<hbm>>
      tpu.wait_indirect_dma semaphore(%arg8 : memref<!tpu.dma_semaphore, #tpu.memory_space<semaphore_mem>>) src(%dma_wait3A_259 : memref<1048576x32xi32, #tpu.memory_space<hbm>>) dst(%dma_wait3A_253 : memref<128x32xi32, #tpu.memory_space<vmem>>)
      %mul3A_260 = arith.constant 640 : i32
      %mul3A_261 = arith.muli %add3A_144, %mul3A_260 : i32
      %add3A_262 = arith.addi %mul3A_2, %mul3A_261 : i32
      %dma_start3A_263 = arith.constant 0 : i32
      %dma_start3A_264 = tpu.memref_slice %arg4[%add3A_262, %dma_start3A_263] : memref<204800x128xi32, #tpu.memory_space<hbm>> -> memref<640x32xi32, #tpu.memory_space<hbm>>
      %dma_start3A_265 = arith.constant 0 : i32
      %dma_start3A_266 = tpu.memref_slice %arg4[%add3A_262, %dma_start3A_265] : memref<204800x128xi32, #tpu.memory_space<hbm>> -> memref<640x32xi32, #tpu.memory_space<hbm>>
      tpu.enqueue_dma source(%arg7 : memref<640x32xi32, #tpu.memory_space<vmem>>) target(%dma_start3A_266 : memref<640x32xi32, #tpu.memory_space<hbm>>) target_semaphore(%arg10 : memref<!tpu.dma_semaphore, #tpu.memory_space<semaphore_mem>>)
    }
    %scan3A_6 = arith.constant 5 : i32
    %dma_wait3A = arith.constant 0 : i32
    %dma_wait3A_7 = arith.constant 0 : i32
    %dma_wait3A_8 = tpu.memref_slice %arg4[%dma_wait3A, %dma_wait3A_7] : memref<204800x128xi32, #tpu.memory_space<hbm>> -> memref<640x32xi32, #tpu.memory_space<hbm>>
    %dma_wait3A_9 = arith.constant 0 : i32
    %dma_wait3A_10 = arith.constant 0 : i32
    %dma_wait3A_11 = tpu.memref_slice %arg4[%dma_wait3A_9, %dma_wait3A_10] : memref<204800x128xi32, #tpu.memory_space<hbm>> -> memref<640x32xi32, #tpu.memory_space<hbm>>
    tpu.wait_dma2 semaphore(%arg9 : memref<!tpu.dma_semaphore, #tpu.memory_space<semaphore_mem>>) src(%arg6 : memref<640x32xi32, #tpu.memory_space<vmem>>) dst(%dma_wait3A_11 : memref<640x32xi32, #tpu.memory_space<hbm>>)
    %dma_wait3A_12 = arith.constant 0 : i32
    %dma_wait3A_13 = arith.constant 0 : i32
    %dma_wait3A_14 = tpu.memref_slice %arg4[%dma_wait3A_12, %dma_wait3A_13] : memref<204800x128xi32, #tpu.memory_space<hbm>> -> memref<640x32xi32, #tpu.memory_space<hbm>>
    %dma_wait3A_15 = arith.constant 0 : i32
    %dma_wait3A_16 = arith.constant 0 : i32
    %dma_wait3A_17 = tpu.memref_slice %arg4[%dma_wait3A_15, %dma_wait3A_16] : memref<204800x128xi32, #tpu.memory_space<hbm>> -> memref<640x32xi32, #tpu.memory_space<hbm>>
    tpu.wait_dma2 semaphore(%arg10 : memref<!tpu.dma_semaphore, #tpu.memory_space<semaphore_mem>>) src(%arg7 : memref<640x32xi32, #tpu.memory_space<vmem>>) dst(%dma_wait3A_17 : memref<640x32xi32, #tpu.memory_space<hbm>>)
    return
  }
}

module attributes {stable_mosaic.version = 14 : i64} {
  func.func @body(%arg0: i32, %arg1: memref<64x8192xf32, #tpu.memory_space<vmem>>, %arg2: memref<64x8192xf32, #tpu.memory_space<vmem>>, %arg3: memref<64x8192xf32, #tpu.memory_space<vmem>>, %arg4: memref<64x8192xf32, #tpu.memory_space<vmem>>, %arg5: memref<8192x128xi32, #tpu.memory_space<vmem>>) attributes {dimension_semantics = [#tpu.dimension_semantics<arbitrary>], iteration_bounds = array<i64: 32>, scalar_prefetch = 0 : i64, scratch_operands = 0 : i64, tpu.core_type = #tpu.core_type<tc>, window_params = [{transform_indices = @transform_0, window_bounds = array<i64: 64, 8192>}, {transform_indices = @transform_1, window_bounds = array<i64: 64, 8192>}, {transform_indices = @transform_2, window_bounds = array<i64: 64, 8192>}, {transform_indices = @transform_3, window_bounds = array<i64: 64, 8192>}, {transform_indices = @transform_4, window_bounds = array<i64: 8192, 128>}]} {
    %get3A = arith.constant 0 : index
    %get3A_0 = arith.constant 0 : index
    %get3A_1 = vector.load %arg1[%get3A, %get3A_0] : memref<64x8192xf32, #tpu.memory_space<vmem>>, vector<64x8192xf32>
    %convert_element_type3A = arith.truncf %get3A_1 : vector<64x8192xf32> to vector<64x8192xbf16>
    %transpose3A = tpu.transpose %convert_element_type3A, [1, 0] : vector<64x8192xbf16> -> vector<8192x64xbf16>
    %slice3A = vector.extract_strided_slice %transpose3A {offsets = [0, 0], sizes = [8192, 32], strides = [1, 1]} : vector<8192x64xbf16> to vector<8192x32xbf16>
    %bitcast_convert_type3A = tpu.bitcast %slice3A : vector<8192x32xbf16> -> vector<8192x32xi16>
    %slice3A_2 = vector.extract_strided_slice %transpose3A {offsets = [0, 32], sizes = [8192, 32], strides = [1, 1]} : vector<8192x64xbf16> to vector<8192x32xbf16>
    %bitcast_convert_type3A_3 = tpu.bitcast %slice3A_2 : vector<8192x32xbf16> -> vector<8192x32xi16>
    %convert_element_type3A_4 = arith.extui %bitcast_convert_type3A : vector<8192x32xi16> to vector<8192x32xi32>
    %convert_element_type3A_5 = arith.extui %bitcast_convert_type3A_3 : vector<8192x32xi16> to vector<8192x32xi32>
    %shift_left3A = arith.constant 16 : i32
    %shift_left3A_6 = vector.broadcast %shift_left3A : i32 to vector<8192x32xi32>
    %shift_left3A_7 = arith.shli %convert_element_type3A_5, %shift_left3A_6 : vector<8192x32xi32>
    %or3A = arith.ori %convert_element_type3A_4, %shift_left3A_7 : vector<8192x32xi32>
    %swap3A = arith.constant 0 : index
    %swap3A_8 = arith.constant 0 : index
    %swap3A_9 = vector.load %arg5[%swap3A, %swap3A_8] : memref<8192x128xi32, #tpu.memory_space<vmem>>, vector<8192x32xi32>
    tpu.vector_store %arg5[%swap3A, %swap3A_8], %or3A {strides = array<i32>} : memref<8192x128xi32, #tpu.memory_space<vmem>>, vector<8192x32xi32>,
    %get3A_10 = arith.constant 0 : index
    %get3A_11 = arith.constant 0 : index
    %get3A_12 = vector.load %arg2[%get3A_10, %get3A_11] : memref<64x8192xf32, #tpu.memory_space<vmem>>, vector<64x8192xf32>
    %convert_element_type3A_13 = arith.truncf %get3A_12 : vector<64x8192xf32> to vector<64x8192xbf16>
    %transpose3A_14 = tpu.transpose %convert_element_type3A_13, [1, 0] : vector<64x8192xbf16> -> vector<8192x64xbf16>
    %slice3A_15 = vector.extract_strided_slice %transpose3A_14 {offsets = [0, 0], sizes = [8192, 32], strides = [1, 1]} : vector<8192x64xbf16> to vector<8192x32xbf16>
    %bitcast_convert_type3A_16 = tpu.bitcast %slice3A_15 : vector<8192x32xbf16> -> vector<8192x32xi16>
    %slice3A_17 = vector.extract_strided_slice %transpose3A_14 {offsets = [0, 32], sizes = [8192, 32], strides = [1, 1]} : vector<8192x64xbf16> to vector<8192x32xbf16>
    %bitcast_convert_type3A_18 = tpu.bitcast %slice3A_17 : vector<8192x32xbf16> -> vector<8192x32xi16>
    %convert_element_type3A_19 = arith.extui %bitcast_convert_type3A_16 : vector<8192x32xi16> to vector<8192x32xi32>
    %convert_element_type3A_20 = arith.extui %bitcast_convert_type3A_18 : vector<8192x32xi16> to vector<8192x32xi32>
    %shift_left3A_21 = arith.constant 16 : i32
    %shift_left3A_22 = vector.broadcast %shift_left3A_21 : i32 to vector<8192x32xi32>
    %shift_left3A_23 = arith.shli %convert_element_type3A_20, %shift_left3A_22 : vector<8192x32xi32>
    %or3A_24 = arith.ori %convert_element_type3A_19, %shift_left3A_23 : vector<8192x32xi32>
    %swap3A_25 = arith.constant 0 : index
    %swap3A_26 = arith.constant 32 : index
    %swap3A_27 = vector.load %arg5[%swap3A_25, %swap3A_26] : memref<8192x128xi32, #tpu.memory_space<vmem>>, vector<8192x32xi32>
    tpu.vector_store %arg5[%swap3A_25, %swap3A_26], %or3A_24 {strides = array<i32>} : memref<8192x128xi32, #tpu.memory_space<vmem>>, vector<8192x32xi32>,
    %get3A_28 = arith.constant 0 : index
    %get3A_29 = arith.constant 0 : index
    %get3A_30 = vector.load %arg3[%get3A_28, %get3A_29] : memref<64x8192xf32, #tpu.memory_space<vmem>>, vector<64x8192xf32>
    %convert_element_type3A_31 = arith.truncf %get3A_30 : vector<64x8192xf32> to vector<64x8192xbf16>
    %transpose3A_32 = tpu.transpose %convert_element_type3A_31, [1, 0] : vector<64x8192xbf16> -> vector<8192x64xbf16>
    %slice3A_33 = vector.extract_strided_slice %transpose3A_32 {offsets = [0, 0], sizes = [8192, 32], strides = [1, 1]} : vector<8192x64xbf16> to vector<8192x32xbf16>
    %bitcast_convert_type3A_34 = tpu.bitcast %slice3A_33 : vector<8192x32xbf16> -> vector<8192x32xi16>
    %slice3A_35 = vector.extract_strided_slice %transpose3A_32 {offsets = [0, 32], sizes = [8192, 32], strides = [1, 1]} : vector<8192x64xbf16> to vector<8192x32xbf16>
    %bitcast_convert_type3A_36 = tpu.bitcast %slice3A_35 : vector<8192x32xbf16> -> vector<8192x32xi16>
    %convert_element_type3A_37 = arith.extui %bitcast_convert_type3A_34 : vector<8192x32xi16> to vector<8192x32xi32>
    %convert_element_type3A_38 = arith.extui %bitcast_convert_type3A_36 : vector<8192x32xi16> to vector<8192x32xi32>
    %shift_left3A_39 = arith.constant 16 : i32
    %shift_left3A_40 = vector.broadcast %shift_left3A_39 : i32 to vector<8192x32xi32>
    %shift_left3A_41 = arith.shli %convert_element_type3A_38, %shift_left3A_40 : vector<8192x32xi32>
    %or3A_42 = arith.ori %convert_element_type3A_37, %shift_left3A_41 : vector<8192x32xi32>
    %swap3A_43 = arith.constant 0 : index
    %swap3A_44 = arith.constant 64 : index
    %swap3A_45 = vector.load %arg5[%swap3A_43, %swap3A_44] : memref<8192x128xi32, #tpu.memory_space<vmem>>, vector<8192x32xi32>
    tpu.vector_store %arg5[%swap3A_43, %swap3A_44], %or3A_42 {strides = array<i32>} : memref<8192x128xi32, #tpu.memory_space<vmem>>, vector<8192x32xi32>,
    %get3A_46 = arith.constant 0 : index
    %get3A_47 = arith.constant 0 : index
    %get3A_48 = vector.load %arg4[%get3A_46, %get3A_47] : memref<64x8192xf32, #tpu.memory_space<vmem>>, vector<64x8192xf32>
    %convert_element_type3A_49 = arith.truncf %get3A_48 : vector<64x8192xf32> to vector<64x8192xbf16>
    %transpose3A_50 = tpu.transpose %convert_element_type3A_49, [1, 0] : vector<64x8192xbf16> -> vector<8192x64xbf16>
    %slice3A_51 = vector.extract_strided_slice %transpose3A_50 {offsets = [0, 0], sizes = [8192, 32], strides = [1, 1]} : vector<8192x64xbf16> to vector<8192x32xbf16>
    %bitcast_convert_type3A_52 = tpu.bitcast %slice3A_51 : vector<8192x32xbf16> -> vector<8192x32xi16>
    %slice3A_53 = vector.extract_strided_slice %transpose3A_50 {offsets = [0, 32], sizes = [8192, 32], strides = [1, 1]} : vector<8192x64xbf16> to vector<8192x32xbf16>
    %bitcast_convert_type3A_54 = tpu.bitcast %slice3A_53 : vector<8192x32xbf16> -> vector<8192x32xi16>
    %convert_element_type3A_55 = arith.extui %bitcast_convert_type3A_52 : vector<8192x32xi16> to vector<8192x32xi32>
    %convert_element_type3A_56 = arith.extui %bitcast_convert_type3A_54 : vector<8192x32xi16> to vector<8192x32xi32>
    %shift_left3A_57 = arith.constant 16 : i32
    %shift_left3A_58 = vector.broadcast %shift_left3A_57 : i32 to vector<8192x32xi32>
    %shift_left3A_59 = arith.shli %convert_element_type3A_56, %shift_left3A_58 : vector<8192x32xi32>
    %or3A_60 = arith.ori %convert_element_type3A_55, %shift_left3A_59 : vector<8192x32xi32>
    %swap3A_61 = arith.constant 0 : index
    %swap3A_62 = arith.constant 96 : index
    %swap3A_63 = vector.load %arg5[%swap3A_61, %swap3A_62] : memref<8192x128xi32, #tpu.memory_space<vmem>>, vector<8192x32xi32>
    tpu.vector_store %arg5[%swap3A_61, %swap3A_62], %or3A_60 {strides = array<i32>} : memref<8192x128xi32, #tpu.memory_space<vmem>>, vector<8192x32xi32>,
    return
  }
  func.func @transform_0(%arg0: i32) -> (i32, i32) {
    %c0_i32 = arith.constant 0 : i32
    %c0_i32_0 = arith.constant 0 : i32
    return %c0_i32, %arg0 : i32, i32
  }
  func.func @transform_1(%arg0: i32) -> (i32, i32) {
    %add3A = arith.constant 32 : i32
    %add3A_0 = arith.addi %arg0, %add3A : i32
    %min3A = arith.constant 122 : i32
    %min3A_1 = arith.minsi %add3A_0, %min3A : i32
    %c0_i32 = arith.constant 0 : i32
    %c0_i32_2 = arith.constant 0 : i32
    return %c0_i32, %min3A_1 : i32, i32
  }
  func.func @transform_2(%arg0: i32) -> (i32, i32) {
    %add3A = arith.constant 64 : i32
    %add3A_0 = arith.addi %arg0, %add3A : i32
    %min3A = arith.constant 122 : i32
    %min3A_1 = arith.minsi %add3A_0, %min3A : i32
    %c0_i32 = arith.constant 0 : i32
    %c0_i32_2 = arith.constant 0 : i32
    return %c0_i32, %min3A_1 : i32, i32
  }
  func.func @transform_3(%arg0: i32) -> (i32, i32) {
    %add3A = arith.constant 96 : i32
    %add3A_0 = arith.addi %arg0, %add3A : i32
    %min3A = arith.constant 122 : i32
    %min3A_1 = arith.minsi %add3A_0, %min3A : i32
    %c0_i32 = arith.constant 0 : i32
    %c0_i32_2 = arith.constant 0 : i32
    return %c0_i32, %min3A_1 : i32, i32
  }
  func.func @transform_4(%arg0: i32) -> (i32, i32) {
    %c0_i32 = arith.constant 0 : i32
    %c0_i32_0 = arith.constant 0 : i32
    return %arg0, %c0_i32 : i32, i32
  }
}

module attributes {stable_mosaic.version = 14 : i64} {
  func.func @body(%arg0: i32, %arg1: i32, %arg2: memref<1x4096x128xi32, #tpu.memory_space<vmem>>, %arg3: memref<32x64xf32, #tpu.memory_space<vmem>>, %arg4: memref<32x64xf32, #tpu.memory_space<vmem>>, %arg5: memref<64x1xf32, #tpu.memory_space<vmem>>, %arg6: memref<1x64x4096xf32, #tpu.memory_space<vmem>>) attributes {dimension_semantics = [#tpu.dimension_semantics<arbitrary>, #tpu.dimension_semantics<arbitrary>], iteration_bounds = array<i64: 50, 1>, scalar_prefetch = 0 : i64, scratch_operands = 0 : i64, tpu.core_type = #tpu.core_type<tc>, window_params = [{transform_indices = @transform_0, window_bounds = array<i64: 1, 4096, 128>}, {pipeline_mode = #tpu.pipeline_mode<synchronous>, transform_indices = @transform_1, window_bounds = array<i64: 32, 64>}, {pipeline_mode = #tpu.pipeline_mode<synchronous>, transform_indices = @transform_2, window_bounds = array<i64: 32, 64>}, {pipeline_mode = #tpu.pipeline_mode<synchronous>, transform_indices = @transform_3, window_bounds = array<i64: 64, 1>}, {transform_indices = @transform_4, window_bounds = array<i64: 1, 64, 4096>}]} {
    %get3A = arith.constant 0 : index
    %get3A_0 = arith.constant 0 : index
    %get3A_1 = arith.constant 0 : index
    %get3A_2 = vector.load %arg2[%get3A, %get3A_0, %get3A_1] : memref<1x4096x128xi32, #tpu.memory_space<vmem>>, vector<1x4096x32xi32>
    %get3A_3 = vector.shape_cast %get3A_2 : vector<1x4096x32xi32> to vector<4096x32xi32>
    %shift_left3A = arith.constant 16 : i32
    %shift_left3A_4 = vector.broadcast %shift_left3A : i32 to vector<4096x32xi32>
    %shift_left3A_5 = arith.shli %get3A_3, %shift_left3A_4 : vector<4096x32xi32>
    %bitcast_convert_type3A = tpu.bitcast %shift_left3A_5 : vector<4096x32xi32> -> vector<4096x32xf32>
    %and3A = arith.constant -65536 : i32
    %and3A_6 = vector.broadcast %and3A : i32 to vector<4096x32xi32>
    %and3A_7 = arith.andi %get3A_3, %and3A_6 : vector<4096x32xi32>
    %bitcast_convert_type3A_8 = tpu.bitcast %and3A_7 : vector<4096x32xi32> -> vector<4096x32xf32>
    %get3A_9 = arith.constant 0 : index
    %get3A_10 = arith.constant 0 : index
    %get3A_11 = vector.load %arg3[%get3A_9, %get3A_10] : memref<32x64xf32, #tpu.memory_space<vmem>>, vector<32x64xf32>
    %dot_general3A = arith.constant dense<0.000000e+00> : vector<64x4096xf32>
    %dot_general3A_12 = tpu.matmul %get3A_11, %bitcast_convert_type3A, %dot_general3A {dimension_numbers = #tpu.dot_dimension_numbers<[0], [1], [1], [0], [0, 1, 1, 0], [], []>, transpose_lhs_hint = false} : vector<32x64xf32>, vector<4096x32xf32>, vector<64x4096xf32> -> vector<64x4096xf32>
    %get3A_13 = arith.constant 0 : index
    %get3A_14 = arith.constant 0 : index
    %get3A_15 = vector.load %arg4[%get3A_13, %get3A_14] : memref<32x64xf32, #tpu.memory_space<vmem>>, vector<32x64xf32>
    %dot_general3A_16 = arith.constant dense<0.000000e+00> : vector<64x4096xf32>
    %dot_general3A_17 = tpu.matmul %get3A_15, %bitcast_convert_type3A_8, %dot_general3A_16 {dimension_numbers = #tpu.dot_dimension_numbers<[0], [1], [1], [0], [0, 1, 1, 0], [], []>, transpose_lhs_hint = false} : vector<32x64xf32>, vector<4096x32xf32>, vector<64x4096xf32> -> vector<64x4096xf32>
    %add3A = arith.addf %dot_general3A_12, %dot_general3A_17 : vector<64x4096xf32>
    %get3A_18 = arith.constant 0 : index
    %get3A_19 = arith.constant 0 : index
    %get3A_20 = vector.load %arg5[%get3A_18, %get3A_19] : memref<64x1xf32, #tpu.memory_space<vmem>>, vector<64x1xf32>
    %add3A_21 = vector.broadcast %get3A_20 : vector<64x1xf32> to vector<64x4096xf32>
    %add3A_22 = arith.addf %add3A, %add3A_21 : vector<64x4096xf32>
    %swap3A = arith.constant 0 : index
    %swap3A_23 = arith.constant 0 : index
    %swap3A_24 = arith.constant 0 : index
    %swap3A_25 = vector.load %arg6[%swap3A, %swap3A_23, %swap3A_24] : memref<1x64x4096xf32, #tpu.memory_space<vmem>>, vector<1x64x4096xf32>
    %swap3A_26 = vector.shape_cast %swap3A_25 : vector<1x64x4096xf32> to vector<64x4096xf32>
    %swap3A_27 = vector.shape_cast %add3A_22 : vector<64x4096xf32> to vector<1x64x4096xf32>
    tpu.vector_store %arg6[%swap3A, %swap3A_23, %swap3A_24], %swap3A_27 {strides = array<i32>} : memref<1x64x4096xf32, #tpu.memory_space<vmem>>, vector<1x64x4096xf32>,
    return
  }
  func.func @transform_0(%arg0: i32, %arg1: i32) -> (i32, i32, i32) {
    %c0_i32 = arith.constant 0 : i32
    %c0_i32_0 = arith.constant 0 : i32
    return %arg0, %arg1, %c0_i32 : i32, i32, i32
  }
  func.func @transform_1(%arg0: i32, %arg1: i32) -> (i32, i32) {
    %c0_i32 = arith.constant 0 : i32
    %c0_i32_0 = arith.constant 0 : i32
    %c0_i32_1 = arith.constant 0 : i32
    return %c0_i32, %c0_i32_0 : i32, i32
  }
  func.func @transform_2(%arg0: i32, %arg1: i32) -> (i32, i32) {
    %c0_i32 = arith.constant 0 : i32
    %c0_i32_0 = arith.constant 0 : i32
    %c0_i32_1 = arith.constant 0 : i32
    return %c0_i32, %c0_i32_0 : i32, i32
  }
  func.func @transform_3(%arg0: i32, %arg1: i32) -> (i32, i32) {
    %c0_i32 = arith.constant 0 : i32
    %c0_i32_0 = arith.constant 0 : i32
    %c0_i32_1 = arith.constant 0 : i32
    return %c0_i32, %c0_i32_0 : i32, i32
  }
  func.func @transform_4(%arg0: i32, %arg1: i32) -> (i32, i32, i32) {
    %c0_i32 = arith.constant 0 : i32
    %c0_i32_0 = arith.constant 0 : i32
    return %arg0, %c0_i32, %arg1 : i32, i32, i32
  }
}

</mosaic_0001>

<sc_bundles>
// kernel: kernel.5.cloned.1.call-start
scs
__scs_entry_jumppad:
0x0: {  	(pc) =	sbr.rel $0x88, $3  }
0x1: {  	(tag) =	ssettag $0x0;
	lr =	simm.s32 $0x1  }
0x2: {  	[smem:$0x3F9D] =	sst lr;
	_ =	strace $0xD0000000  }
0x3: {  	_ = 	snop  }
0x4: {  	_ = 	snop  }
0x5: {  	_ = 	snop  }
0x6: {  	_ = 	snop  }
0x7: {  	_ = 	snop  }
__scs_overlays_trampoline_lowered:
0x8: {  	[smem:$0x3FAC] =	sst s0  }
0x9: {  	[smem:$0x3FAD] =	sst s1  }
0xa: {  	[smem:$0x3FAE] =	sst s2  }
0xb: {  	[smem:$0x3FAF] =	sst s3  }
0xc: {  	[smem:$0x3FB0] =	sst s4  }
0xd: {  	[smem:$0x3FB1] =	sst s5  }
0xe: {  	[smem:$0x3FB2] =	sst s6  }
0xf: {  	[smem:$0x3FB3] =	sst s7  }
0x10: {  	[smem:$0x3FB4] =	sst s8  }
0x11: {  	[smem:$0x3FB5] =	sst s9;
	s0 =	simm.s32 @!p0 $0x0  }
0x12: {  	s1 =	sld [smem:$0x3F9B];
	s0 =	simm.s32 @p0 $0x1  }
0x13: {  	[smem:$0x3FB6] =	sst s0;
	s0 =	simm.s32 @!p1 $0x0  }
0x14: {  	s2 =	sld [smem:$0x3F9A];
	s0 =	simm.s32 @p1 $0x1  }
0x15: {  	[smem:$0x3FB7] =	sst s0;
	s0 =	simm.s32 @!p2 $0x0  }
0x16: {  	s3 =	sld [smem:$0x3FDB];
	s0 =	simm.s32 @p2 $0x1  }
0x17: {  	s4 =	simm.s32 $0x1BF5;
	[smem:$0x3FB9] =	sst s0  }
0x18: {  	s0 =	sld [smem:$0x3F9C];
	_ =	swait.ge [sflag:s4], $0x0  }
0x19: {  	s7 =	sld [smem:$0x3F9D]  }
0x1a: {  	s8 =	sadd.s32 $0xFFFFE003, lr  }
0x1b: {  	s9 =	sadd.s32 $0xFFFFFEF7, lr;
	s5 =	simm.s32 $0xFFFFFFFF;
	p2 =	slt.u32 s8, $0xFFFFF086  }
0x1c: {  	p1 =	slt.u32 s9, $0xF7A;
	s5 =	simm.s32 @!p2 $0x0  }
0x1d: {  	s5 =	simm.s32 @p1 $0x1;
	p0 =	seq.s32 s7, s2  }
0x1e: {  	s7 =	smul.u32 @!p0 $0xF7A, s2;
	p2 =	seq.s32 @!p0 s5, $0x0  }
0x1f: {  	s9 =	smul.u32 $0xF7A, s1;
	s8 =	simm.s32 @!p0 $0x1BF5;
	p2 =	por !p2, p0  }
0x20: {  	[sflag:s8] =	ssyncset.s32 @!p0 $0xFFFFF086;
	s6 =	sadd.s32 @!p0 s3, s7;
	s7 =	simm.s32 @!p0 $0x108  }
0x21: {  	s3 =	sadd.s32 s3, s9;
	s6 =	sadd.s32 @!p0 $0x88, s6;
	s7 =	simm.s32 @p2 $0x1082  }
0x22: {  	[simem:s7], [sflag:s8] =	dma.local @!p0 [hbm:s6], $0xF7A  }
0x23: {  	s9 =	sor.u32 $0xD0000000, s2;
	s6 =	simm.s32 $0x108;
	_ =	swait.ge @!p0 [sflag:s8], $0x0  }
0x24: {  	s3 =	sadd.s32 $0x88, s3;
	s6 =	simm.s32 @!p1 $0x1082;
	[sflag:s4] =	ssyncset.s32 $0xFFFFF086  }
0x25: {  	[simem:s6], [sflag:s4] =	dma.local [hbm:s3], $0xF7A  }
0x26: {  	[smem:$0x3F9D] =	sst s1;
	(tag) =	ssettag s2;
	_ =	strace s9  }
0x27: {  	s1 =	sld [smem:$0x3FAD]  }
0x28: {  	s2 =	sld [smem:$0x3FAE]  }
0x29: {  	s4 =	sld [smem:$0x3FB0]  }
0x2a: {  	p0 =	seq.s32 s5, $0x0;
	s5 =	sld [smem:$0x3FB1]  }
0x2b: {  	s6 =	sld [smem:$0x3FB2]  }
0x2c: {  	s7 =	sld [smem:$0x3FB3]  }
0x2d: {  	s3 =	simm.s32 $0x108;
	s8 =	sld [smem:$0x3FB4]  }
0x2e: {  	s3 =	simm.s32 @!p0 $0x1082;
	s9 =	sld [smem:$0x3FB5]  }
0x2f: {  	lr =	sadd.s32 s0, s3;
	s0 =	sld [smem:$0x3FAC]  }
0x30: {  	s3 =	sld [smem:$0x3FAF]  }
0x31: {  	[smem:$0x3FB8] =	sst s10  }
0x32: {  	s10 =	sld [smem:$0x3FB6];
	_ =	sdelay $0x3  }
0x33: {  	p0 =	seq.s32 s10, $0x1;
	s10 =	sld [smem:$0x3FB8];
	_ =	sdelay $0x3  }
0x34: {  	[smem:$0x3FB8] =	sst s10  }
0x35: {  	s10 =	sld [smem:$0x3FB7];
	_ =	sdelay $0x3  }
0x36: {  	p1 =	seq.s32 s10, $0x1;
	s10 =	sld [smem:$0x3FB8];
	_ =	sdelay $0x3  }
0x37: {  	[smem:$0x3FB8] =	sst s10  }
0x38: {  	s10 =	sld [smem:$0x3FB9]  }
0x39: {  	_ = 	snop;
	(pc) =	sbr.ind lr, $3  }
0x3a: {  	_ = 	snop  }
0x3b: {  	_ = 	snop  }
0x3c: {  	p2 =	seq.s32 s10, $0x1;
	s10 =	sld [smem:$0x3FB8]  }
0x3d: {  	_ =	shalt  }
0x3e: {  	_ =	shalt  }
0x3f: {  	_ =	shalt  }
0x40: {  	_ =	shalt  }
0x41: {  	_ =	shalt  }
0x42: {  	_ =	shalt  }
0x43: {  	_ =	shalt  }
0x44: {  	_ =	shalt  }
0x45: {  	_ =	shalt  }
0x46: {  	_ =	shalt  }
0x47: {  	_ =	shalt  }
0x48: {  	_ =	shalt  }
0x49: {  	_ =	shalt  }
0x4a: {  	_ =	shalt  }
0x4b: {  	_ =	shalt  }
0x4c: {  	_ =	shalt  }
0x4d: {  	_ =	shalt  }
0x4e: {  	_ =	shalt  }
0x4f: {  	_ =	shalt  }
0x50: {  	_ =	shalt  }
0x51: {  	_ =	shalt  }
0x52: {  	_ =	shalt  }
0x53: {  	_ =	shalt  }
0x54: {  	_ =	shalt  }
0x55: {  	_ =	shalt  }
0x56: {  	_ =	shalt  }
0x57: {  	_ =	shalt  }
0x58: {  	_ =	shalt  }
0x59: {  	_ =	shalt  }
0x5a: {  	_ =	shalt  }
0x5b: {  	_ =	shalt  }
0x5c: {  	_ =	shalt  }
0x5d: {  	_ =	shalt  }
0x5e: {  	_ =	shalt  }
0x5f: {  	_ =	shalt  }
0x60: {  	_ =	shalt  }
0x61: {  	_ =	shalt  }
0x62: {  	_ =	shalt  }
0x63: {  	_ =	shalt  }
0x64: {  	_ =	shalt  }
0x65: {  	_ =	shalt  }
0x66: {  	_ =	shalt  }
0x67: {  	_ =	shalt  }
0x68: {  	_ =	shalt  }
0x69: {  	_ =	shalt  }
0x6a: {  	_ =	shalt  }
0x6b: {  	_ =	shalt  }
0x6c: {  	_ =	shalt  }
0x6d: {  	_ =	shalt  }
0x6e: {  	_ =	shalt  }
0x6f: {  	_ =	shalt  }
0x70: {  	_ =	shalt  }
0x71: {  	_ =	shalt  }
0x72: {  	_ =	shalt  }
0x73: {  	_ =	shalt  }
0x74: {  	_ =	shalt  }
0x75: {  	_ =	shalt  }
0x76: {  	_ =	shalt  }
0x77: {  	_ =	shalt  }
0x78: {  	_ =	shalt  }
0x79: {  	_ =	shalt  }
0x7a: {  	_ =	shalt  }
0x7b: {  	_ =	shalt  }
0x7c: {  	_ =	shalt  }
0x7d: {  	_ =	shalt  }
0x7e: {  	_ =	shalt  }
0x7f: {  	_ =	shalt  }
0x80: {  	_ =	shalt  }
0x81: {  	_ =	shalt  }
0x82: {  	_ =	shalt  }
0x83: {  	_ =	shalt  }
0x84: {  	_ =	shalt  }
0x85: {  	_ =	shalt  }
0x86: {  	_ =	shalt  }
0x87: {  	_ =	shalt  }
.Lfunc_end0:
.L_simem_size_0:
called_computation_lowered:
.L_overlay_start_0:
0x88: {  	s2 =	sld [smem:$0x3FD9]  }
0x89: {  	s3 =	sld [smem:$0x3FFE];
	_ =	sdelay $0x1  }
0x8a: {  	s1 =	srdreg.scid  }
0x8b: {  	s0 =	sand.u32 $0x1, s1  }
0x8c: {  	s17 =	sshll.u32 s0, $0xA;
	s2 =	sadd.s32 s3, s2  }
0x8d: {  	s2 =	sadd.s32 s2, s17  }
0x8e: {  	[smem:$0x3FC4] =	sst s2  }
0x8f: {  	_ = 	snop  }
0x90: {  	s2 =	sld [smem:$0x3FD0];
	(tm) =	ssettm $0x1  }
0x91: {  	s18 =	sld [smem:$0x3FFB];
	_ =	sdelay $0x3  }
0x92: {  	_ =	strace s18  }
0x93: {  	s3 =	sld [smem:$0x3FFC];
	_ =	sdelay $0x3  }
0x94: {  	_ =	strace s3  }
0x95: {  	s3 =	sld [smem:$0x3FFD];
	_ =	sdelay $0x3  }
0x96: {  	_ =	strace s3  }
0x97: {  	_ =	strace $0x8FFFFFFF  }
0x98: {  	s19 =	sld [smem:$0x3FDB];
	_ =	sdelay $0x1  }
0x99: {  	s4 =	simm.s32 $_scs_section_size  }
0x9a: {  	s5 =	simm.s32 $_size__tile_overlayer_lowered;
	s6 =	simm.s32 $_tile_overlayer_lowered  }
0x9b: {  	s22 =	simm.s32 $0x1BFF;
	s21 =	sshll.u32 s6, $0x1;
	s3 =	sadd.s32 s4, s19  }
0x9c: {  	s7 =	simm.s32 $0x0;
	s20 =	sshll.u32 s5, $0x1;
	s5 =	sadd.s32 s21, s3  }
0x9d: {  	[timem:s7], [sflag:s22] =	dma.local [hbm:s5], s20  }
0x9e: {  	_ =	swait.ge [sflag:s22], s20  }
0x9f: {  	s4 =	ssub.s32 $0x0, s20;
	[sflag:s22] =	ssyncset.done $0x0  }
0xa0: {  	[sflag:s22] =	ssyncadd.s32 s4;
	_ =	sdelay $0x1  }
0xa1: {  	s23 =	simm.s32 $0x1B8B  }
0xa2: {  	_ =	swait.ge [sflag:s23], $0x1  }
0xa3: {  	[sflag:s23] =	ssyncset.done $0x0  }
0xa4: {  	s25 =	simm.s32 $0x1B8E;
	s24 =	sld [smem:$0x3FFE];
	[sflag:s23] =	ssyncadd.s32 $0xFFFFFFFF  }
0xa5: {  	s26 =	simm.s32 $execute0_lowered;
	[smem:$0x3FD2] =	sst s25  }
0xa6: {  	s5 =	sshll.u32 s26, $0x1;
	_ =	strace $0x80000046;
	[dreg:$0x1] =	wrdreg $0xFFFFFFFF  }
0xa7: {  	s28 =	simm.s32 $_size_execute0_lowered;
	s3 =	sadd.s32 s3, s5;
	[dreg:$0x0] =	wrdreg $0x0  }
0xa8: {  	s5 =	sshll.u32 s28, $0x1;
	[dreg:$0x2] =	wrdreg s3  }
0xa9: {  	[dreg:$0x3] =	wrdreg s5  }
0xaa: {  	[dreg:$0x4] =	wrdreg $0xC0  }
0xab: {  	_ =	task [dreg:s7], $0x5FFFF  }
0xac: {  	[dreg:$0x1] =	wrdreg $0xFFFFFFFF  }
0xad: {  	[dreg:$0x0] =	wrdreg $0x60  }
0xae: {  	[dreg:$0x2] =	wrdreg s24  }
0xaf: {  	[dreg:$0x3] =	wrdreg s2  }
0xb0: {  	[dreg:$0x4] =	wrdreg $0x9  }
0xb1: {  	_ =	task.clear_ibuf [dreg:s7], $0x5FFFF;
	_ =	strace $0x90000046  }
0xb2: {  	s29 =	simm.s32 $0x9;
	_ =	strace $0x80000048  }
0xb3: {  	_ =	swait.ge [sflag:s29], $0x1  }
0xb4: {  	[sflag:s29] =	ssyncadd.s32 $0xFFFFFFFF  }
0xb5: {  	_ =	strace $0x90000048  }
0xb6: {  	_ =	sfence  }
0xb7: {  	s30 =	sld [smem:$0x0];
	_ =	sdelay $0x2  }
0xb8: {  	s31 =	sshll.u32 s1, $0xD;
	s1 =	sshrl.u32 s1, $0x2  }
0xb9: {  	s3 =	sand.u32 $0x4000, s31;
	s1 =	sadd.s32 s1, s30  }
0xba: {  	s0 =	sor.u32 s3, s0;
	s1 =	sshll.u32 s1, $0x11  }
0xbb: {  	s0 =	sor.u32 s1, s0  }
0xbc: {  	s0 =	sadd.s32 $0x8F2B, s0  }
0xbd: {  	[sflag:s0] =	ssyncadd.remote.s32 $0x1  }
0xbe: {  	_ =	sfence.sel $0xFFFF  }
0xbf: {  	[dreg:$0x0] =	wrdreg $0xFFFFFFFF;
	(pc) =	sbr.abs _section_cstart, $3  }
0xc0: {  	[dreg:$0x1] =	wrdreg $0xFFFFFFFF  }
0xc1: {  	_ =	task.clear_ibuf [dreg:s7], $0x2FFFF;
	_ =	strace $0x9FFFFFFF  }
0xc2: {  	(tm) =	ssettm $0x7FFFFFFF  }
0xc3: {  	_ =	shalt  }
tec
execute0_lowered:
.L_overlay_start_1:
0x0: {  	(tag) =	ssettag $0x1  }
0x1: {  	s0 =	rddreg [dreg:$0x0];
	s1 =	srdreg.scid  }
0x2: {  	s11 =	stileid.u32;
	s4 =	rddreg [dreg:$0x1];
	s2 =	simm.s32 $0x0  }
0x3: {  	s12 =	simm.s32 $0x1900;
	s13 =	simm.s32 $0x2900;
	s15 =	simm.s32 $0x3900  }
0x4: {  	s17 =	simm.s32 $0x4900;
	s19 =	simm.s32 $0x5900;
	s20 =	simm.s32 $0x1  }
0x5: {  	s21 =	simm.s32 $0x20;
	s23 =	simm.s32 $0x6900;
	s25 =	simm.s32 $0x7900  }
0x6: {  	s28 =	simm.s32 $0x8900;
	s30 =	simm.s32 $0x9900;
	s14 =	simm.s32 $0x3  }
0x7: {  	s16 =	simm.s32 $0x0;
	s1 =	sand.u32 $0x1, s1;
	s8 =	smul.u32 $0x3200, s11  }
0x8: {  	s3 =	sshll.u32 s11, $0x1;
	[smem:$0x7FF] =	sst s2;
	s31 =	smul.u32 $0x32000, s11  }
0x9: {  	s11 =	simm.s32 $0x80;
	s5 =	sor.u32 s1, s3;
	s10 =	smul.u32 $0x1900, s1  }
0xa: {  	_ =	strace $0x80000047;
	s29 =	ssub.s32 $0x2, s1;
	s1 =	smul.u32 $0x19000, s1  }
0xb: {  	s3 =	sadd.s32 $0xC00, s0;
	s6 =	smul.u32 $0x1900, s5;
	s9 =	sshrl.u32 s29, $0x1  }
0xc: {  	s0 =	sadd.s32 $0x400C00, s0;
	s7 =	smul.u32 $0x19000, s5;
	s5 =	ssub.s32 s29, s9  }
0xd: {  	s8 =	sadd.s32 s10, s8;
	s9 =	sadd.s32 s31, s0;
	s10 =	simm.s32 $0x4  }
0xe: {  	s6 =	sshrl.u32 s6, $0x3;
	s5 =	smax.u32 s5, $0x1;
	s8 =	sshll.u32 s8, $0x4  }
0xf: {  	s1 =	sadd.s32 s1, s9;
	s4 =	sadd.s32 s4, s6;
	s6 =	sadd.s32 s0, s7  }
0x10: {  	s0 =	sadd.s32 s0, s8;
	s8 =	sadd.s32 $0x5000, s1;
	s1 =	simm.s32 $0xA900  }
0x11: {  	s7 =	sadd.s32 $0x2800, s6;
	s26 =	sadd.s32 $0x7800, s0;
	s0 =	simm.s32 $0x2  }
.LBB2_1:
0x12: {  	[tilespmem:s2], [sflag:$0x4] =	stream.linear.gather [hbm4b:s4+s2], $0x1900, $0x38;
	[tilespmem:$0xB900] =	vst v63  }
0x13: {  	_ =	swait.ge [sflag:s10], $0x1900  }
0x14: {  	[sflag:s10] =	ssyncset.done $0x0  }
0x15: {  	[sflag:s10] =	ssyncadd.s32 $0xFFFFE700  }
0x16: {  	[tilespmem:s12], [sflag:$0x1] =	stream.indirect.gather [hbm4b:s3+s11], $0x20, s2, s11, $0xb8;
	[tilespmem:$0xB900] =	vst v63  }
0x17: {  	_ = 	snop  }
0x18: {  	[tilespmem:s13], [sflag:$0x1] =	stream.indirect.gather [hbm4b:s3+s11], $0x20, s11, s11, $0xb8;
	[tilespmem:$0xB900] =	vst v63  }
0x19: {  	s9 =	simm.s32 $0x100  }
0x1a: {  	[tilespmem:s15], [sflag:$0x1] =	stream.indirect.gather [hbm4b:s3+s11], $0x20, s9, s11, $0xb8;
	[tilespmem:$0xB900] =	vst v63  }
0x1b: {  	s29 =	simm.s32 $0x180  }
0x1c: {  	[tilespmem:s17], [sflag:$0x1] =	stream.indirect.gather [hbm4b:s3+s11], $0x20, s29, s11, $0xb8;
	[tilespmem:$0xB900] =	vst v63  }
0x1d: {  	s31 =	simm.s32 $0x200  }
0x1e: {  	[tilespmem:s19], [sflag:$0x1] =	stream.indirect.gather [hbm4b:s3+s11], $0x20, s31, s11, $0xb8;
	[tilespmem:$0xB900] =	vst v63  }
0x1f: {  	_ =	swait.ge [sflag:s20], $0x1000  }
0x20: {  	[sflag:s20] =	ssyncset.done $0x0  }
0x21: {  	[sflag:s20] =	ssyncadd.s32 $0xFFFFF000  }
0x22: {  	_ =	swait.ge [sflag:s20], $0x1000  }
0x23: {  	[sflag:s20] =	ssyncset.done $0x0  }
0x24: {  	[sflag:s20] =	ssyncadd.s32 $0xFFFFF000  }
0x25: {  	_ =	swait.ge [sflag:s20], $0x1000  }
0x26: {  	[sflag:s20] =	ssyncset.done $0x0  }
0x27: {  	[sflag:s20] =	ssyncadd.s32 $0xFFFFF000  }
0x28: {  	_ =	swait.ge [sflag:s20], $0x1000  }
0x29: {  	[sflag:s20] =	ssyncset.done $0x0  }
0x2a: {  	[sflag:s20] =	ssyncadd.s32 $0xFFFFF000  }
0x2b: {  	_ =	swait.ge [sflag:s20], $0x1000  }
0x2c: {  	[sflag:s20] =	ssyncset.done $0x0  }
0x2d: {  	[sflag:s20] =	ssyncadd.s32 $0xFFFFF000  }
0x2e: {  	[hbm4b:s6+s21] =	stream.strided.scatter [tilespmem:s12], [sflag:$0x2], $0x5000, s11, s21, $0x38;
	[tilespmem:$0xB900] =	vst v63  }
0x2f: {  	s18 =	simm.s32 $0x280  }
0x30: {  	[tilespmem:s23], [sflag:$0x1] =	stream.indirect.gather [hbm4b:s3+s11], $0x20, s18, s11, $0xb8;
	[tilespmem:$0xB900] =	vst v63  }
0x31: {  	s22 =	simm.s32 $0x300  }
0x32: {  	[tilespmem:s25], [sflag:$0x1] =	stream.indirect.gather [hbm4b:s3+s11], $0x20, s22, s11, $0xb8;
	[tilespmem:$0xB900] =	vst v63  }
0x33: {  	s24 =	simm.s32 $0x380  }
0x34: {  	[tilespmem:s28], [sflag:$0x1] =	stream.indirect.gather [hbm4b:s3+s11], $0x20, s24, s11, $0xb8;
	[tilespmem:$0xB900] =	vst v63  }
0x35: {  	s29 =	simm.s32 $0x400  }
0x36: {  	[tilespmem:s30], [sflag:$0x1] =	stream.indirect.gather [hbm4b:s3+s11], $0x20, s29, s11, $0xb8;
	[tilespmem:$0xB900] =	vst v63  }
0x37: {  	s31 =	simm.s32 $0x480  }
0x38: {  	[tilespmem:s1], [sflag:$0x1] =	stream.indirect.gather [hbm4b:s3+s11], $0x20, s31, s11, $0xb8;
	[tilespmem:$0xB900] =	vst v63  }
0x39: {  	_ =	swait.ge [sflag:s20], $0x1000  }
0x3a: {  	[sflag:s20] =	ssyncset.done $0x0  }
0x3b: {  	[sflag:s20] =	ssyncadd.s32 $0xFFFFF000  }
0x3c: {  	_ =	swait.ge [sflag:s20], $0x1000  }
0x3d: {  	[sflag:s20] =	ssyncset.done $0x0  }
0x3e: {  	[sflag:s20] =	ssyncadd.s32 $0xFFFFF000  }
0x3f: {  	_ =	swait.ge [sflag:s20], $0x1000  }
0x40: {  	[sflag:s20] =	ssyncset.done $0x0  }
0x41: {  	[sflag:s20] =	ssyncadd.s32 $0xFFFFF000  }
0x42: {  	_ =	swait.ge [sflag:s20], $0x1000  }
0x43: {  	[sflag:s20] =	ssyncset.done $0x0  }
0x44: {  	[sflag:s20] =	ssyncadd.s32 $0xFFFFF000  }
0x45: {  	_ =	swait.ge [sflag:s20], $0x1000  }
0x46: {  	[sflag:s20] =	ssyncset.done $0x0  }
0x47: {  	[sflag:s20] =	ssyncadd.s32 $0xFFFFF000  }
0x48: {  	[hbm4b:s7+s21] =	stream.strided.scatter [tilespmem:s23], [sflag:$0x3], $0x5000, s11, s21, $0x38;
	[tilespmem:$0xB900] =	vst v63  }
0x49: {  	_ =	swait.ge [sflag:s0], $0x5000  }
0x4a: {  	[sflag:s0] =	ssyncset.done $0x0  }
0x4b: {  	s18 =	simm.s32 $0x500;
	[sflag:s0] =	ssyncadd.s32 $0xFFFFB000  }
0x4c: {  	[tilespmem:s12], [sflag:$0x1] =	stream.indirect.gather [hbm4b:s3+s11], $0x20, s18, s11, $0xb8;
	[tilespmem:$0xB900] =	vst v63  }
0x4d: {  	s22 =	simm.s32 $0x580  }
0x4e: {  	[tilespmem:s13], [sflag:$0x1] =	stream.indirect.gather [hbm4b:s3+s11], $0x20, s22, s11, $0xb8;
	[tilespmem:$0xB900] =	vst v63  }
0x4f: {  	s24 =	simm.s32 $0x600  }
0x50: {  	[tilespmem:s15], [sflag:$0x1] =	stream.indirect.gather [hbm4b:s3+s11], $0x20, s24, s11, $0xb8;
	[tilespmem:$0xB900] =	vst v63  }
0x51: {  	s29 =	simm.s32 $0x680  }
0x52: {  	[tilespmem:s17], [sflag:$0x1] =	stream.indirect.gather [hbm4b:s3+s11], $0x20, s29, s11, $0xb8;
	[tilespmem:$0xB900] =	vst v63  }
0x53: {  	s31 =	simm.s32 $0x700  }
0x54: {  	[tilespmem:s19], [sflag:$0x1] =	stream.indirect.gather [hbm4b:s3+s11], $0x20, s31, s11, $0xb8;
	[tilespmem:$0xB900] =	vst v63  }
0x55: {  	_ =	swait.ge [sflag:s20], $0x1000  }
0x56: {  	[sflag:s20] =	ssyncset.done $0x0  }
0x57: {  	[sflag:s20] =	ssyncadd.s32 $0xFFFFF000  }
0x58: {  	_ =	swait.ge [sflag:s20], $0x1000  }
0x59: {  	[sflag:s20] =	ssyncset.done $0x0  }
0x5a: {  	[sflag:s20] =	ssyncadd.s32 $0xFFFFF000  }
0x5b: {  	_ =	swait.ge [sflag:s20], $0x1000  }
0x5c: {  	[sflag:s20] =	ssyncset.done $0x0  }
0x5d: {  	[sflag:s20] =	ssyncadd.s32 $0xFFFFF000  }
0x5e: {  	_ =	swait.ge [sflag:s20], $0x1000  }
0x5f: {  	[sflag:s20] =	ssyncset.done $0x0  }
0x60: {  	[sflag:s20] =	ssyncadd.s32 $0xFFFFF000  }
0x61: {  	_ =	swait.ge [sflag:s20], $0x1000  }
0x62: {  	[sflag:s20] =	ssyncset.done $0x0  }
0x63: {  	[sflag:s20] =	ssyncadd.s32 $0xFFFFF000  }
0x64: {  	[hbm4b:s8+s21] =	stream.strided.scatter [tilespmem:s12], [sflag:$0x2], $0x5000, s11, s21, $0x38;
	[tilespmem:$0xB900] =	vst v63  }
0x65: {  	_ =	swait.ge [sflag:s14], $0x5000  }
0x66: {  	[sflag:s14] =	ssyncset.done $0x0  }
0x67: {  	s18 =	simm.s32 $0x780;
	[sflag:s14] =	ssyncadd.s32 $0xFFFFB000  }
0x68: {  	[tilespmem:s23], [sflag:$0x1] =	stream.indirect.gather [hbm4b:s3+s11], $0x20, s18, s11, $0xb8;
	[tilespmem:$0xB900] =	vst v63  }
0x69: {  	s22 =	simm.s32 $0x800  }
0x6a: {  	[tilespmem:s25], [sflag:$0x1] =	stream.indirect.gather [hbm4b:s3+s11], $0x20, s22, s11, $0xb8;
	[tilespmem:$0xB900] =	vst v63  }
0x6b: {  	s24 =	simm.s32 $0x880  }
0x6c: {  	[tilespmem:s28], [sflag:$0x1] =	stream.indirect.gather [hbm4b:s3+s11], $0x20, s24, s11, $0xb8;
	[tilespmem:$0xB900] =	vst v63  }
0x6d: {  	s29 =	simm.s32 $0x900  }
0x6e: {  	[tilespmem:s30], [sflag:$0x1] =	stream.indirect.gather [hbm4b:s3+s11], $0x20, s29, s11, $0xb8;
	[tilespmem:$0xB900] =	vst v63  }
0x6f: {  	s31 =	simm.s32 $0x980  }
0x70: {  	[tilespmem:s1], [sflag:$0x1] =	stream.indirect.gather [hbm4b:s3+s11], $0x20, s31, s11, $0xb8;
	[tilespmem:$0xB900] =	vst v63  }
0x71: {  	_ =	swait.ge [sflag:s20], $0x1000  }
0x72: {  	[sflag:s20] =	ssyncset.done $0x0  }
0x73: {  	[sflag:s20] =	ssyncadd.s32 $0xFFFFF000  }
0x74: {  	_ =	swait.ge [sflag:s20], $0x1000  }
0x75: {  	[sflag:s20] =	ssyncset.done $0x0  }
0x76: {  	[sflag:s20] =	ssyncadd.s32 $0xFFFFF000  }
0x77: {  	_ =	swait.ge [sflag:s20], $0x1000  }
0x78: {  	[sflag:s20] =	ssyncset.done $0x0  }
0x79: {  	[sflag:s20] =	ssyncadd.s32 $0xFFFFF000  }
0x7a: {  	_ =	swait.ge [sflag:s20], $0x1000  }
0x7b: {  	[sflag:s20] =	ssyncset.done $0x0  }
0x7c: {  	[sflag:s20] =	ssyncadd.s32 $0xFFFFF000  }
0x7d: {  	_ =	swait.ge [sflag:s20], $0x1000  }
0x7e: {  	s9 =	smov.u32 s26;
	s18 =	simm.s32 $0x1400;
	[sflag:s20] =	ssyncset.done $0x0  }
0x7f: {  	s22 =	sadd.s32 $0x5000, s8;
	s24 =	sadd.s32 $0x5000, s26;
	[sflag:s20] =	ssyncadd.s32 $0xFFFFF000  }
.LBB2_2:
0x80: {  	[hbm4b:s9+s21] =	stream.strided.scatter [tilespmem:s23], [sflag:$0x3], $0x5000, s11, s21, $0x38;
	[tilespmem:$0xB900] =	vst v63  }
0x81: {  	s29 =	smov.u32 s18;
	s9 =	smov.u32 s24  }
0x82: {  	p0 =	sne.s32 s18, $0x3C00;
	s18 =	sadd.s32 $0x1400, s18;
	_ =	swait.ge [sflag:s0], $0x5000  }
0x83: {  	s29 =	sshra.s32 s29, $0x2;
	[sflag:s0] =	ssyncset.done $0x0  }
0x84: {  	s31 =	sadd.s32 $0x500, s29;
	[sflag:s0] =	ssyncadd.s32 $0xFFFFB000  }
0x85: {  	[tilespmem:s12], [sflag:$0x1] =	stream.indirect.gather [hbm4b:s3+s11], $0x20, s31, s11, $0xb8;
	[tilespmem:$0xB900] =	vst v63  }
0x86: {  	s31 =	sadd.s32 $0x580, s29  }
0x87: {  	[tilespmem:s13], [sflag:$0x1] =	stream.indirect.gather [hbm4b:s3+s11], $0x20, s31, s11, $0xb8;
	[tilespmem:$0xB900] =	vst v63  }
0x88: {  	s31 =	sadd.s32 $0x600, s29  }
0x89: {  	[tilespmem:s15], [sflag:$0x1] =	stream.indirect.gather [hbm4b:s3+s11], $0x20, s31, s11, $0xb8;
	[tilespmem:$0xB900] =	vst v63  }
0x8a: {  	s31 =	sadd.s32 $0x680, s29  }
0x8b: {  	[tilespmem:s17], [sflag:$0x1] =	stream.indirect.gather [hbm4b:s3+s11], $0x20, s31, s11, $0xb8;
	[tilespmem:$0xB900] =	vst v63  }
0x8c: {  	s31 =	sadd.s32 $0x700, s29  }
0x8d: {  	[tilespmem:s19], [sflag:$0x1] =	stream.indirect.gather [hbm4b:s3+s11], $0x20, s31, s11, $0xb8;
	[tilespmem:$0xB900] =	vst v63  }
0x8e: {  	_ =	swait.ge [sflag:s20], $0x1000  }
0x8f: {  	[sflag:s20] =	ssyncset.done $0x0  }
0x90: {  	[sflag:s20] =	ssyncadd.s32 $0xFFFFF000  }
0x91: {  	_ =	swait.ge [sflag:s20], $0x1000  }
0x92: {  	[sflag:s20] =	ssyncset.done $0x0  }
0x93: {  	[sflag:s20] =	ssyncadd.s32 $0xFFFFF000  }
0x94: {  	_ =	swait.ge [sflag:s20], $0x1000  }
0x95: {  	[sflag:s20] =	ssyncset.done $0x0  }
0x96: {  	[sflag:s20] =	ssyncadd.s32 $0xFFFFF000  }
0x97: {  	_ =	swait.ge [sflag:s20], $0x1000  }
0x98: {  	[sflag:s20] =	ssyncset.done $0x0  }
0x99: {  	[sflag:s20] =	ssyncadd.s32 $0xFFFFF000  }
0x9a: {  	_ =	swait.ge [sflag:s20], $0x1000  }
0x9b: {  	[sflag:s20] =	ssyncset.done $0x0  }
0x9c: {  	[sflag:s20] =	ssyncadd.s32 $0xFFFFF000  }
0x9d: {  	[hbm4b:s22+s21] =	stream.strided.scatter [tilespmem:s12], [sflag:$0x2], $0x5000, s11, s21, $0x38;
	[tilespmem:$0xB900] =	vst v63  }
0x9e: {  	_ =	swait.ge [sflag:s14], $0x5000  }
0x9f: {  	[sflag:s14] =	ssyncset.done $0x0  }
0xa0: {  	s31 =	sadd.s32 $0x780, s29;
	[sflag:s14] =	ssyncadd.s32 $0xFFFFB000  }
0xa1: {  	[tilespmem:s23], [sflag:$0x1] =	stream.indirect.gather [hbm4b:s3+s11], $0x20, s31, s11, $0xb8;
	[tilespmem:$0xB900] =	vst v63  }
0xa2: {  	s31 =	sadd.s32 $0x800, s29  }
0xa3: {  	[tilespmem:s25], [sflag:$0x1] =	stream.indirect.gather [hbm4b:s3+s11], $0x20, s31, s11, $0xb8;
	[tilespmem:$0xB900] =	vst v63  }
0xa4: {  	s31 =	sadd.s32 $0x880, s29  }
0xa5: {  	[tilespmem:s28], [sflag:$0x1] =	stream.indirect.gather [hbm4b:s3+s11], $0x20, s31, s11, $0xb8;
	[tilespmem:$0xB900] =	vst v63  }
0xa6: {  	s31 =	sadd.s32 $0x900, s29  }
0xa7: {  	[tilespmem:s30], [sflag:$0x1] =	stream.indirect.gather [hbm4b:s3+s11], $0x20, s31, s11, $0xb8;
	[tilespmem:$0xB900] =	vst v63  }
0xa8: {  	s29 =	sadd.s32 $0x980, s29  }
0xa9: {  	[tilespmem:s1], [sflag:$0x1] =	stream.indirect.gather [hbm4b:s3+s11], $0x20, s29, s11, $0xb8;
	[tilespmem:$0xB900] =	vst v63  }
0xaa: {  	_ =	swait.ge [sflag:s20], $0x1000  }
0xab: {  	[sflag:s20] =	ssyncset.done $0x0  }
0xac: {  	[sflag:s20] =	ssyncadd.s32 $0xFFFFF000  }
0xad: {  	_ =	swait.ge [sflag:s20], $0x1000  }
0xae: {  	[sflag:s20] =	ssyncset.done $0x0  }
0xaf: {  	[sflag:s20] =	ssyncadd.s32 $0xFFFFF000  }
0xb0: {  	_ =	swait.ge [sflag:s20], $0x1000  }
0xb1: {  	[sflag:s20] =	ssyncset.done $0x0  }
0xb2: {  	[sflag:s20] =	ssyncadd.s32 $0xFFFFF000  }
0xb3: {  	_ =	swait.ge [sflag:s20], $0x1000  }
.Ltmp0:
0xb4: {  	[sflag:s20] =	ssyncset.done $0x0;
	(pc) =	sbr.rel @p0 .LBB2_2-.Ltmp0, $4  }
0xb5: {  	[sflag:s20] =	ssyncadd.s32 $0xFFFFF000  }
0xb6: {  	_ =	swait.ge [sflag:s20], $0x1000  }
0xb7: {  	[sflag:s20] =	ssyncset.done $0x0  }
0xb8: {  	s24 =	sadd.s32 $0x5000, s24;
	s22 =	sadd.s32 $0x5000, s22;
	[sflag:s20] =	ssyncadd.s32 $0xFFFFF000  }
0xb9: {  	[hbm4b:s9+s21] =	stream.strided.scatter [tilespmem:s23], [sflag:$0x3], $0x5000, s11, s21, $0x38;
	[tilespmem:$0xB900] =	vst v63  }
0xba: {  	s16 =	sadd.s32 $0x1, s16  }
0xbb: {  	_ =	swait.ge [sflag:s0], $0x5000;
	p0 =	sne.s32 s16, s5  }
.Ltmp1:
0xbc: {  	[sflag:s0] =	ssyncset.done $0x0;
	(pc) =	sbr.rel @p0 .LBB2_1-.Ltmp1, $4  }
0xbd: {  	[sflag:s0] =	ssyncadd.s32 $0xFFFFB000  }
0xbe: {  	_ =	swait.ge [sflag:s14], $0x5000  }
0xbf: {  	[sflag:s14] =	ssyncset.done $0x0  }
0xc0: {  	[sflag:s14] =	ssyncadd.s32 $0xFFFFB000  }
0xc1: {  	_ =	sfence.sel $0x180000  }
0xc2: {  	[bflag:$0x0] =	sbarrier.arrive $0xFFFF  }
0xc3: {  	_ =	strace $0x90000047  }
0xc4: {  	s0 =	stileid.u32;
	[bflag:$0x2] =	sbarrier.arrive $0xFFFF  }
0xc5: {  	p0 =	sne.s32 s0, $0x0;
	s0 =	rddreg [dreg:$0x2]  }
0xc6: {  	s0 =	sadd.s32 @!p0 $0x100000, s0  }
0xc7: {  	[sflag:s0] =	ssyncadd.tile.s32 @!p0 $0x1;
	_ =	shalt  }
.Lfunc_end2:
_tile_overlayer_lowered:
.L_overlay_start_2:
0xc8: {  	(tag) =	ssettag $0x2  }
0xc9: {  	s0 =	rddreg [dreg:$0x0];
	s2 =	stileid.u32  }
0xca: {  	s1 =	rddreg [dreg:$0x1];
	p0 =	sne.s32 s2, $0x0  }
0xcb: {  	s3 =	rddreg [dreg:$0x2];
	[bflag:$0x3] =	sbarrier.arrive $0xFFFF;
	s2 =	simm.s32 @!p0 $0x1C04  }
0xcc: {  	[timem:s3], [sflag:s2] =	dma.local @!p0 [hbm:s0], s1  }
0xcd: {  	s0 =	simm.s32 @!p0 $0x4  }
0xce: {  	_ =	swait.ge @!p0 [sflag:s0], s1  }
0xcf: {  	s1 =	ssub.s32 @!p0 $0x0, s1;
	[sflag:s0] =	ssyncset.done @!p0 $0x0  }
0xd0: {  	[sflag:s0] =	ssyncadd.s32 @!p0 s1  }
0xd1: {  	[bflag:$0x3] =	sbarrier.arrive $0xFFFF  }
0xd2: {  	_ =	shalt  }

</sc_bundles>
